<compile_context>
chip_gen: v7x
topology: tpu7x:2x2x1
jax: 0.10.2.dev20260603
libtpu: 0.0.44.dev20260713+nightly
codegen_flags: <defaults>
</compile_context>

<pallas_src>
import functools

import jax
import jax.numpy as jnp
from jax import lax
from jax.experimental import pallas as pl
from jax.experimental.pallas import tpu as pltpu
from jax.experimental.pallas import tpu_sc as plsc

E = 8
NEG_INF = float("-inf")


def _logits_kernel(x_ref, wg_ref, out_ref):
    lt = jax.lax.dot_general(
        wg_ref[...], x_ref[...], (((1,), (1,)), ((), ())),
        preferred_element_type=jnp.float32)
    out_ref[...] = lt


def _make_combine_sc(t_tokens):
    info = plsc.get_sparse_core_info()
    nc, ns, lanes = info.num_cores, info.num_subcores, info.num_lanes
    nw = nc * ns
    per_w = t_tokens // nw
    n_chunks = per_w // lanes
    mesh = plsc.VectorSubcoreMesh(core_axis_name="c", subcore_axis_name="s")

    @functools.partial(
        pl.kernel, mesh=mesh,
        out_type=jax.ShapeDtypeStruct((E, t_tokens), jnp.float32),
        scratch_types=[
            pltpu.VMEM((E, per_w), jnp.float32),
            pltpu.VMEM((E, per_w), jnp.float32),
        ],
    )
    def combine_sc(lt_hbm, out_hbm, lt_v, cmb_v):
        wid = lax.axis_index("s") * nc + lax.axis_index("c")
        base = wid * per_w
        pltpu.sync_copy(lt_hbm.at[:, pl.ds(base, per_w)], lt_v)

        def chunk(k, carry):
            del carry
            off = k * lanes
            rows = [lt_v[e, pl.ds(off, lanes)] for e in range(E)]
            l1 = rows[0]
            i1 = jnp.zeros((lanes,), jnp.int32)
            for e in range(1, E):
                gt = rows[e] > l1
                l1 = jnp.where(gt, rows[e], l1)
                i1 = jnp.where(gt, e, i1)
            l2 = jnp.full((lanes,), NEG_INF, jnp.float32)
            i2 = jnp.zeros((lanes,), jnp.int32)
            for e in range(E):
                valid = i1 != e
                gt = valid & (rows[e] > l2)
                l2 = jnp.where(gt, rows[e], l2)
                i2 = jnp.where(gt, e, i2)
            e21 = jnp.exp(l2 - l1)
            w2 = e21 / (1.0 + e21)
            w1 = 1.0 - w2
            for e in range(E):
                ce = (jnp.where(i1 == e, w1, 0.0)
                      + jnp.where(i2 == e, w2, 0.0))
                cmb_v[e, pl.ds(off, lanes)] = ce
            return 0

        lax.fori_loop(0, n_chunks, chunk, 0)
        pltpu.sync_copy(cmb_v, out_hbm.at[:, pl.ds(base, per_w)])

    return combine_sc


def _moe_tile_kernel(x_ref, cmb_ref, we_ref, be_ref, out_ref, wb_ref):
    @pl.when(pl.program_id(0) == 0)
    def _cast_weights():
        wb_ref[...] = we_ref[...].astype(jnp.bfloat16)

    x = x_ref[...]
    tile = x.shape[0]
    combine = cmb_ref[...]
    acc = jax.lax.dot_general(
        combine, be_ref[...], (((0,), (0,)), ((), ())),
        preferred_element_type=jnp.float32)
    for e in range(E):
        y = jax.lax.dot_general(
            x, wb_ref[e], (((1,), (1,)), ((), ())),
            preferred_element_type=jnp.float32)
        acc += combine[e, :][:, None] * y
    out_ref[...] = acc


@functools.partial(jax.jit, static_argnames=())
def kernel(inputs, W_gate, W_experts, b_experts):
    batch_shape = inputs.shape[:-1]
    d_in = inputs.shape[-1]
    x = inputs.reshape(-1, d_in)
    t = x.shape[0]
    d_out = W_experts.shape[1]
    tile = 1024
    grid = (t // tile,)

    logits_t = pl.pallas_call(
        _logits_kernel,
        grid=grid,
        in_specs=[
            pl.BlockSpec((tile, d_in), lambda i: (i, 0)),
            pl.BlockSpec((E, d_in), lambda i: (0, 0)),
        ],
        out_specs=pl.BlockSpec((E, tile), lambda i: (0, i)),
        out_shape=jax.ShapeDtypeStruct((E, t), jnp.float32),
    )(x, W_gate)

    combine_t = _make_combine_sc(t)(logits_t)

    out = pl.pallas_call(
        _moe_tile_kernel,
        grid=grid,
        in_specs=[
            pl.BlockSpec((tile, d_in), lambda i: (i, 0)),
            pl.BlockSpec((E, tile), lambda i: (0, i)),
            pl.BlockSpec((E, d_out, d_in), lambda i: (0, 0, 0)),
            pl.BlockSpec((E, d_out), lambda i: (0, 0)),
        ],
        out_specs=pl.BlockSpec((tile, d_out), lambda i: (i, 0)),
        out_shape=jax.ShapeDtypeStruct((t, d_out), jnp.float32),
        scratch_shapes=[pltpu.VMEM((E, d_out, d_in), jnp.bfloat16)],
    )(x, combine_t, W_experts, b_experts)
    return out.reshape(*batch_shape, d_out)

# --- scband reference (transcript-rebuilt; emitter-appended) ---
"""Pipeline reference for scband-mo-elayer-26182120637040 (READ-ONLY COPY).

The authoritative reference and input builder live on the scoring server;
editing this copy changes nothing except your own understanding.
"""

import jax, jax.numpy as jnp
import numpy as np

E = 8
TOP_K = 2
D_IN = 768
D_OUT = 768


def setup_inputs(seed: int = 0) -> dict:
    key = jax.random.key(seed)
    k1, k2, k3, k4 = jax.random.split(key, 4)
    inputs = jax.random.normal(k1, (4, 2048, D_IN), dtype=jnp.float32)
    # Gate weight: torch zero-inits it, but that makes routing degenerate; use small random init
    W_gate = jax.random.normal(k2, (E, D_IN), dtype=jnp.float32) * 0.02
    # Expert linear weights [E, out, in] and biases [E, out]
    W_experts = jax.random.normal(k3, (E, D_OUT, D_IN), dtype=jnp.float32) * (1.0 / np.sqrt(D_IN))
    b_experts = jax.random.normal(k4, (E, D_OUT), dtype=jnp.float32) * 0.01
    return {"inputs": inputs, "W_gate": W_gate, "W_experts": W_experts, "b_experts": b_experts}


def reference(inputs, W_gate, W_experts, b_experts):
    batch_shape = inputs.shape[:-1]
    x = inputs.reshape(-1, inputs.shape[-1])  # [T, d_in]
    T = x.shape[0]
    # gate_logits = moe_gate(inputs)
    gate_logits = x @ W_gate.T  # [T, E]
    # top-k routing
    top_k_weights, selected_experts = jax.lax.top_k(gate_logits, TOP_K)  # [T, k]
    top_k_weights = jax.nn.softmax(top_k_weights.astype(jnp.float32), axis=1).astype(x.dtype)
    # combine weights: scatter top_k_weights into [T, E] (same as torch zeros.scatter)
    combine = jnp.zeros((T, E), dtype=x.dtype).at[jnp.arange(T)[:, None], selected_experts].add(top_k_weights)
    # Dense-equivalent expert computation: y[t, e, :] = x[t] @ W_e.T + b_e
    # combine is zero for non-selected experts, so the weighted sum exactly matches
    # the original sparse dispatch math.
    y = jnp.einsum('td,eod->teo', x, W_experts) + b_experts[None, :, :]  # [T, E, d_out]
    results = jnp.sum(combine[:, :, None] * y, axis=1)  # [T, d_out]
    return results.reshape(*batch_shape, -1)

if __name__ == "__main__":
    import jax
    _d = setup_inputs()
    print(jax.jit(kernel)(*tuple(_d.values())))

</pallas_src>

<mosaic_0001>
#map = affine_map<(d0, d1) -> (0, 0)>
module attributes {stable_mosaic.version = 14 : i64} {
  func.func @combine_sc(%arg0: i32, %arg1: i32, %arg2: memref<8x8192xf32, #tpu.memory_space<hbm>>, %arg3: memref<8x8192xf32, #tpu.memory_space<hbm>>, %arg4: memref<8x256xf32, #tpu.memory_space<vmem>>, %arg5: memref<8x256xf32, #tpu.memory_space<vmem>>) attributes {dimension_semantics = [#tpu.dimension_semantics<core_parallel>, #tpu.dimension_semantics<subcore_parallel>], iteration_bounds = array<i64: 2, 16>, scalar_prefetch = 0 : i64, scratch_operands = 2 : i64, tpu.core_type = #tpu.core_type<sc_vector_subcore>, window_params = [{transform_indices = #map}, {transform_indices = #map}]} {
    %mul3A = arith.constant 2 : i32
    %mul3A_0 = arith.muli %arg1, %mul3A : i32
    %add3A = arith.addi %mul3A_0, %arg0 : i32
    %mul3A_1 = arith.constant 256 : i32
    %mul3A_2 = arith.muli %add3A, %mul3A_1 : i32
    "tpu.region"() ({
      %run_scoped3A = tpu.sem_alloc : memref<!tpu.dma_semaphore, #tpu.memory_space<semaphore_mem>>
      %dma_start3A = arith.constant 0 : i32
      %dma_start3A_9 = tpu.memref_slice %arg2[%dma_start3A, %mul3A_2] : memref<8x8192xf32, #tpu.memory_space<hbm>> -> memref<8x256xf32, #tpu.memory_space<hbm>>
      %dma_start3A_10 = arith.constant 0 : i32
      %dma_start3A_11 = tpu.memref_slice %arg2[%dma_start3A_10, %mul3A_2] : memref<8x8192xf32, #tpu.memory_space<hbm>> -> memref<8x256xf32, #tpu.memory_space<hbm>>
      tpu.enqueue_dma source(%dma_start3A_11 : memref<8x256xf32, #tpu.memory_space<hbm>>) target(%arg4 : memref<8x256xf32, #tpu.memory_space<vmem>>) target_semaphore(%run_scoped3A : memref<!tpu.dma_semaphore, #tpu.memory_space<semaphore_mem>>)
      %dma_wait3A = arith.constant 0 : i32
      %dma_wait3A_12 = tpu.memref_slice %arg2[%dma_wait3A, %mul3A_2] : memref<8x8192xf32, #tpu.memory_space<hbm>> -> memref<8x256xf32, #tpu.memory_space<hbm>>
      %dma_wait3A_13 = arith.constant 0 : i32
      %dma_wait3A_14 = tpu.memref_slice %arg2[%dma_wait3A_13, %mul3A_2] : memref<8x8192xf32, #tpu.memory_space<hbm>> -> memref<8x256xf32, #tpu.memory_space<hbm>>
      tpu.wait_dma2 semaphore(%run_scoped3A : memref<!tpu.dma_semaphore, #tpu.memory_space<semaphore_mem>>) src(%dma_wait3A_14 : memref<8x256xf32, #tpu.memory_space<hbm>>) dst(%arg4 : memref<8x256xf32, #tpu.memory_space<vmem>>)
      tpu.yield
    }) : () -> ()
    %scan3A = arith.constant 0 : i32
    %scan3A_3 = arith.constant 0 : i32
    %scan3A_4 = arith.constant 16 : i32
    %scan3A_5 = arith.addi %scan3A_3, %scan3A_4 : i32
    %scan3A_6 = arith.constant 1 : i32
    %scan3A_7 = scf.for %scan3A_9 = %scan3A_3 to %scan3A_5 step %scan3A_6 iter_args(%scan3A_10 = %scan3A) -> (i32)  : i32 {
      %mul3A_11 = arith.constant 16 : i32
      %mul3A_12 = arith.muli %scan3A_9, %mul3A_11 : i32
      %get3A = arith.constant 0 : i32
      %get3A_13 = arith.index_cast %get3A : i32 to index
      %get3A_14 = arith.index_cast %mul3A_12 : i32 to index
      %get3A_15 = tpu.vector_load %arg4[%get3A_13, %get3A_14] {strides = array<i32>} : memref<8x256xf32, #tpu.memory_space<vmem>>, vector<1x16xf32>,
      %get3A_16 = vector.shape_cast %get3A_15 : vector<1x16xf32> to vector<16xf32>
      %get3A_17 = arith.constant 1 : i32
      %get3A_18 = arith.index_cast %get3A_17 : i32 to index
      %get3A_19 = arith.index_cast %mul3A_12 : i32 to index
      %get3A_20 = tpu.vector_load %arg4[%get3A_18, %get3A_19] {strides = array<i32>} : memref<8x256xf32, #tpu.memory_space<vmem>>, vector<1x16xf32>,
      %get3A_21 = vector.shape_cast %get3A_20 : vector<1x16xf32> to vector<16xf32>
      %get3A_22 = arith.constant 2 : i32
      %get3A_23 = arith.index_cast %get3A_22 : i32 to index
      %get3A_24 = arith.index_cast %mul3A_12 : i32 to index
      %get3A_25 = tpu.vector_load %arg4[%get3A_23, %get3A_24] {strides = array<i32>} : memref<8x256xf32, #tpu.memory_space<vmem>>, vector<1x16xf32>,
      %get3A_26 = vector.shape_cast %get3A_25 : vector<1x16xf32> to vector<16xf32>
      %get3A_27 = arith.constant 3 : i32
      %get3A_28 = arith.index_cast %get3A_27 : i32 to index
      %get3A_29 = arith.index_cast %mul3A_12 : i32 to index
      %get3A_30 = tpu.vector_load %arg4[%get3A_28, %get3A_29] {strides = array<i32>} : memref<8x256xf32, #tpu.memory_space<vmem>>, vector<1x16xf32>,
      %get3A_31 = vector.shape_cast %get3A_30 : vector<1x16xf32> to vector<16xf32>
      %get3A_32 = arith.constant 4 : i32
      %get3A_33 = arith.index_cast %get3A_32 : i32 to index
      %get3A_34 = arith.index_cast %mul3A_12 : i32 to index
      %get3A_35 = tpu.vector_load %arg4[%get3A_33, %get3A_34] {strides = array<i32>} : memref<8x256xf32, #tpu.memory_space<vmem>>, vector<1x16xf32>,
      %get3A_36 = vector.shape_cast %get3A_35 : vector<1x16xf32> to vector<16xf32>
      %get3A_37 = arith.constant 5 : i32
      %get3A_38 = arith.index_cast %get3A_37 : i32 to index
      %get3A_39 = arith.index_cast %mul3A_12 : i32 to index
      %get3A_40 = tpu.vector_load %arg4[%get3A_38, %get3A_39] {strides = array<i32>} : memref<8x256xf32, #tpu.memory_space<vmem>>, vector<1x16xf32>,
      %get3A_41 = vector.shape_cast %get3A_40 : vector<1x16xf32> to vector<16xf32>
      %get3A_42 = arith.constant 6 : i32
      %get3A_43 = arith.index_cast %get3A_42 : i32 to index
      %get3A_44 = arith.index_cast %mul3A_12 : i32 to index
      %get3A_45 = tpu.vector_load %arg4[%get3A_43, %get3A_44] {strides = array<i32>} : memref<8x256xf32, #tpu.memory_space<vmem>>, vector<1x16xf32>,
      %get3A_46 = vector.shape_cast %get3A_45 : vector<1x16xf32> to vector<16xf32>
      %get3A_47 = arith.constant 7 : i32
      %get3A_48 = arith.index_cast %get3A_47 : i32 to index
      %get3A_49 = arith.index_cast %mul3A_12 : i32 to index
      %get3A_50 = tpu.vector_load %arg4[%get3A_48, %get3A_49] {strides = array<i32>} : memref<8x256xf32, #tpu.memory_space<vmem>>, vector<1x16xf32>,
      %get3A_51 = vector.shape_cast %get3A_50 : vector<1x16xf32> to vector<16xf32>
      %broadcast_in_dim3A = arith.constant 0 : i32
      %broadcast_in_dim3A_52 = vector.broadcast %broadcast_in_dim3A : i32 to vector<16xi32>
      %gt3A = arith.cmpf ogt, %get3A_21, %get3A_16 : vector<16xf32>
      %select_n3A = arith.select %gt3A, %get3A_21, %get3A_16 : vector<16xi1>, vector<16xf32>
      %jit3A = arith.constant 1 : i32
      %broadcast_in_dim3A_53 = vector.broadcast %jit3A : i32 to vector<16xi32>
      %select_n3A_54 = arith.select %gt3A, %broadcast_in_dim3A_53, %broadcast_in_dim3A_52 : vector<16xi1>, vector<16xi32>
      %gt3A_55 = arith.cmpf ogt, %get3A_26, %select_n3A : vector<16xf32>
      %select_n3A_56 = arith.select %gt3A_55, %get3A_26, %select_n3A : vector<16xi1>, vector<16xf32>
      %jit3A_57 = arith.constant 2 : i32
      %broadcast_in_dim3A_58 = vector.broadcast %jit3A_57 : i32 to vector<16xi32>
      %select_n3A_59 = arith.select %gt3A_55, %broadcast_in_dim3A_58, %select_n3A_54 : vector<16xi1>, vector<16xi32>
      %gt3A_60 = arith.cmpf ogt, %get3A_31, %select_n3A_56 : vector<16xf32>
      %select_n3A_61 = arith.select %gt3A_60, %get3A_31, %select_n3A_56 : vector<16xi1>, vector<16xf32>
      %jit3A_62 = arith.constant 3 : i32
      %broadcast_in_dim3A_63 = vector.broadcast %jit3A_62 : i32 to vector<16xi32>
      %select_n3A_64 = arith.select %gt3A_60, %broadcast_in_dim3A_63, %select_n3A_59 : vector<16xi1>, vector<16xi32>
      %gt3A_65 = arith.cmpf ogt, %get3A_36, %select_n3A_61 : vector<16xf32>
      %select_n3A_66 = arith.select %gt3A_65, %get3A_36, %select_n3A_61 : vector<16xi1>, vector<16xf32>
      %jit3A_67 = arith.constant 4 : i32
      %broadcast_in_dim3A_68 = vector.broadcast %jit3A_67 : i32 to vector<16xi32>
      %select_n3A_69 = arith.select %gt3A_65, %broadcast_in_dim3A_68, %select_n3A_64 : vector<16xi1>, vector<16xi32>
      %gt3A_70 = arith.cmpf ogt, %get3A_41, %select_n3A_66 : vector<16xf32>
      %select_n3A_71 = arith.select %gt3A_70, %get3A_41, %select_n3A_66 : vector<16xi1>, vector<16xf32>
      %jit3A_72 = arith.constant 5 : i32
      %broadcast_in_dim3A_73 = vector.broadcast %jit3A_72 : i32 to vector<16xi32>
      %select_n3A_74 = arith.select %gt3A_70, %broadcast_in_dim3A_73, %select_n3A_69 : vector<16xi1>, vector<16xi32>
      %gt3A_75 = arith.cmpf ogt, %get3A_46, %select_n3A_71 : vector<16xf32>
      %select_n3A_76 = arith.select %gt3A_75, %get3A_46, %select_n3A_71 : vector<16xi1>, vector<16xf32>
      %jit3A_77 = arith.constant 6 : i32
      %broadcast_in_dim3A_78 = vector.broadcast %jit3A_77 : i32 to vector<16xi32>
      %select_n3A_79 = arith.select %gt3A_75, %broadcast_in_dim3A_78, %select_n3A_74 : vector<16xi1>, vector<16xi32>
      %gt3A_80 = arith.cmpf ogt, %get3A_51, %select_n3A_76 : vector<16xf32>
      %select_n3A_81 = arith.select %gt3A_80, %get3A_51, %select_n3A_76 : vector<16xi1>, vector<16xf32>
      %jit3A_82 = arith.constant 7 : i32
      %broadcast_in_dim3A_83 = vector.broadcast %jit3A_82 : i32 to vector<16xi32>
      %select_n3A_84 = arith.select %gt3A_80, %broadcast_in_dim3A_83, %select_n3A_79 : vector<16xi1>, vector<16xi32>
      %broadcast_in_dim3A_85 = arith.constant 0xFF800000 : f32
      %broadcast_in_dim3A_86 = vector.broadcast %broadcast_in_dim3A_85 : f32 to vector<16xf32>
      %broadcast_in_dim3A_87 = arith.constant 0 : i32
      %broadcast_in_dim3A_88 = vector.broadcast %broadcast_in_dim3A_87 : i32 to vector<16xi32>
      %ne3A = arith.constant 0 : i32
      %ne3A_89 = vector.broadcast %ne3A : i32 to vector<16xi32>
      %ne3A_90 = arith.cmpi ne, %select_n3A_84, %ne3A_89 : vector<16xi32>
      %gt3A_91 = arith.cmpf ogt, %get3A_16, %broadcast_in_dim3A_86 : vector<16xf32>
      %and3A = arith.andi %ne3A_90, %gt3A_91 : vector<16xi1>
      %select_n3A_92 = arith.select %and3A, %get3A_16, %broadcast_in_dim3A_86 : vector<16xi1>, vector<16xf32>
      %jit3A_93 = arith.constant 0 : i32
      %broadcast_in_dim3A_94 = vector.broadcast %jit3A_93 : i32 to vector<16xi32>
      %select_n3A_95 = arith.select %and3A, %broadcast_in_dim3A_94, %broadcast_in_dim3A_88 : vector<16xi1>, vector<16xi32>
      %ne3A_96 = arith.constant 1 : i32
      %ne3A_97 = vector.broadcast %ne3A_96 : i32 to vector<16xi32>
      %ne3A_98 = arith.cmpi ne, %select_n3A_84, %ne3A_97 : vector<16xi32>
      %gt3A_99 = arith.cmpf ogt, %get3A_21, %select_n3A_92 : vector<16xf32>
      %and3A_100 = arith.andi %ne3A_98, %gt3A_99 : vector<16xi1>
      %select_n3A_101 = arith.select %and3A_100, %get3A_21, %select_n3A_92 : vector<16xi1>, vector<16xf32>
      %jit3A_102 = arith.constant 1 : i32
      %broadcast_in_dim3A_103 = vector.broadcast %jit3A_102 : i32 to vector<16xi32>
      %select_n3A_104 = arith.select %and3A_100, %broadcast_in_dim3A_103, %select_n3A_95 : vector<16xi1>, vector<16xi32>
      %ne3A_105 = arith.constant 2 : i32
      %ne3A_106 = vector.broadcast %ne3A_105 : i32 to vector<16xi32>
      %ne3A_107 = arith.cmpi ne, %select_n3A_84, %ne3A_106 : vector<16xi32>
      %gt3A_108 = arith.cmpf ogt, %get3A_26, %select_n3A_101 : vector<16xf32>
      %and3A_109 = arith.andi %ne3A_107, %gt3A_108 : vector<16xi1>
      %select_n3A_110 = arith.select %and3A_109, %get3A_26, %select_n3A_101 : vector<16xi1>, vector<16xf32>
      %jit3A_111 = arith.constant 2 : i32
      %broadcast_in_dim3A_112 = vector.broadcast %jit3A_111 : i32 to vector<16xi32>
      %select_n3A_113 = arith.select %and3A_109, %broadcast_in_dim3A_112, %select_n3A_104 : vector<16xi1>, vector<16xi32>
      %ne3A_114 = arith.constant 3 : i32
      %ne3A_115 = vector.broadcast %ne3A_114 : i32 to vector<16xi32>
      %ne3A_116 = arith.cmpi ne, %select_n3A_84, %ne3A_115 : vector<16xi32>
      %gt3A_117 = arith.cmpf ogt, %get3A_31, %select_n3A_110 : vector<16xf32>
      %and3A_118 = arith.andi %ne3A_116, %gt3A_117 : vector<16xi1>
      %select_n3A_119 = arith.select %and3A_118, %get3A_31, %select_n3A_110 : vector<16xi1>, vector<16xf32>
      %jit3A_120 = arith.constant 3 : i32
      %broadcast_in_dim3A_121 = vector.broadcast %jit3A_120 : i32 to vector<16xi32>
      %select_n3A_122 = arith.select %and3A_118, %broadcast_in_dim3A_121, %select_n3A_113 : vector<16xi1>, vector<16xi32>
      %ne3A_123 = arith.constant 4 : i32
      %ne3A_124 = vector.broadcast %ne3A_123 : i32 to vector<16xi32>
      %ne3A_125 = arith.cmpi ne, %select_n3A_84, %ne3A_124 : vector<16xi32>
      %gt3A_126 = arith.cmpf ogt, %get3A_36, %select_n3A_119 : vector<16xf32>
      %and3A_127 = arith.andi %ne3A_125, %gt3A_126 : vector<16xi1>
      %select_n3A_128 = arith.select %and3A_127, %get3A_36, %select_n3A_119 : vector<16xi1>, vector<16xf32>
      %jit3A_129 = arith.constant 4 : i32
      %broadcast_in_dim3A_130 = vector.broadcast %jit3A_129 : i32 to vector<16xi32>
      %select_n3A_131 = arith.select %and3A_127, %broadcast_in_dim3A_130, %select_n3A_122 : vector<16xi1>, vector<16xi32>
      %ne3A_132 = arith.constant 5 : i32
      %ne3A_133 = vector.broadcast %ne3A_132 : i32 to vector<16xi32>
      %ne3A_134 = arith.cmpi ne, %select_n3A_84, %ne3A_133 : vector<16xi32>
      %gt3A_135 = arith.cmpf ogt, %get3A_41, %select_n3A_128 : vector<16xf32>
      %and3A_136 = arith.andi %ne3A_134, %gt3A_135 : vector<16xi1>
      %select_n3A_137 = arith.select %and3A_136, %get3A_41, %select_n3A_128 : vector<16xi1>, vector<16xf32>
      %jit3A_138 = arith.constant 5 : i32
      %broadcast_in_dim3A_139 = vector.broadcast %jit3A_138 : i32 to vector<16xi32>
      %select_n3A_140 = arith.select %and3A_136, %broadcast_in_dim3A_139, %select_n3A_131 : vector<16xi1>, vector<16xi32>
      %ne3A_141 = arith.constant 6 : i32
      %ne3A_142 = vector.broadcast %ne3A_141 : i32 to vector<16xi32>
      %ne3A_143 = arith.cmpi ne, %select_n3A_84, %ne3A_142 : vector<16xi32>
      %gt3A_144 = arith.cmpf ogt, %get3A_46, %select_n3A_137 : vector<16xf32>
      %and3A_145 = arith.andi %ne3A_143, %gt3A_144 : vector<16xi1>
      %select_n3A_146 = arith.select %and3A_145, %get3A_46, %select_n3A_137 : vector<16xi1>, vector<16xf32>
      %jit3A_147 = arith.constant 6 : i32
      %broadcast_in_dim3A_148 = vector.broadcast %jit3A_147 : i32 to vector<16xi32>
      %select_n3A_149 = arith.select %and3A_145, %broadcast_in_dim3A_148, %select_n3A_140 : vector<16xi1>, vector<16xi32>
      %ne3A_150 = arith.constant 7 : i32
      %ne3A_151 = vector.broadcast %ne3A_150 : i32 to vector<16xi32>
      %ne3A_152 = arith.cmpi ne, %select_n3A_84, %ne3A_151 : vector<16xi32>
      %gt3A_153 = arith.cmpf ogt, %get3A_51, %select_n3A_146 : vector<16xf32>
      %and3A_154 = arith.andi %ne3A_152, %gt3A_153 : vector<16xi1>
      %select_n3A_155 = arith.select %and3A_154, %get3A_51, %select_n3A_146 : vector<16xi1>, vector<16xf32>
      %jit3A_156 = arith.constant 7 : i32
      %broadcast_in_dim3A_157 = vector.broadcast %jit3A_156 : i32 to vector<16xi32>
      %select_n3A_158 = arith.select %and3A_154, %broadcast_in_dim3A_157, %select_n3A_149 : vector<16xi1>, vector<16xi32>
      %sub3A = arith.subf %select_n3A_155, %select_n3A_81 : vector<16xf32>
      %exp3A = math.exp %sub3A : vector<16xf32>
      %add3A_159 = arith.constant 1.000000e+00 : f32
      %add3A_160 = vector.broadcast %add3A_159 : f32 to vector<16xf32>
      %add3A_161 = arith.addf %add3A_160, %exp3A : vector<16xf32>
      %div3A = arith.divf %exp3A, %add3A_161 : vector<16xf32>
      %sub3A_162 = arith.constant 1.000000e+00 : f32
      %sub3A_163 = vector.broadcast %sub3A_162 : f32 to vector<16xf32>
      %sub3A_164 = arith.subf %sub3A_163, %div3A : vector<16xf32>
      %eq3A = arith.constant 0 : i32
      %eq3A_165 = vector.broadcast %eq3A : i32 to vector<16xi32>
      %eq3A_166 = arith.cmpi eq, %select_n3A_84, %eq3A_165 : vector<16xi32>
      %jit3A_167 = arith.constant 0.000000e+00 : f32
      %broadcast_in_dim3A_168 = vector.broadcast %jit3A_167 : f32 to vector<16xf32>
      %select_n3A_169 = arith.select %eq3A_166, %sub3A_164, %broadcast_in_dim3A_168 : vector<16xi1>, vector<16xf32>
      %eq3A_170 = arith.constant 0 : i32
      %eq3A_171 = vector.broadcast %eq3A_170 : i32 to vector<16xi32>
      %eq3A_172 = arith.cmpi eq, %select_n3A_158, %eq3A_171 : vector<16xi32>
      %jit3A_173 = arith.constant 0.000000e+00 : f32
      %broadcast_in_dim3A_174 = vector.broadcast %jit3A_173 : f32 to vector<16xf32>
      %select_n3A_175 = arith.select %eq3A_172, %div3A, %broadcast_in_dim3A_174 : vector<16xi1>, vector<16xf32>
      %add3A_176 = arith.addf %select_n3A_169, %select_n3A_175 : vector<16xf32>
      %swap3A = arith.constant 0 : i32
      %swap3A_177 = arith.index_cast %swap3A : i32 to index
      %swap3A_178 = arith.index_cast %mul3A_12 : i32 to index
      %swap3A_179 = tpu.vector_load %arg5[%swap3A_177, %swap3A_178] {strides = array<i32>} : memref<8x256xf32, #tpu.memory_space<vmem>>, vector<1x16xf32>,
      %swap3A_180 = vector.shape_cast %swap3A_179 : vector<1x16xf32> to vector<16xf32>
      %swap3A_181 = vector.shape_cast %add3A_176 : vector<16xf32> to vector<1x16xf32>
      tpu.vector_store %arg5[%swap3A_177, %swap3A_178], %swap3A_181 {strides = array<i32>} : memref<8x256xf32, #tpu.memory_space<vmem>>, vector<1x16xf32>,
      %eq3A_182 = arith.constant 1 : i32
      %eq3A_183 = vector.broadcast %eq3A_182 : i32 to vector<16xi32>
      %eq3A_184 = arith.cmpi eq, %select_n3A_84, %eq3A_183 : vector<16xi32>
      %jit3A_185 = arith.constant 0.000000e+00 : f32
      %broadcast_in_dim3A_186 = vector.broadcast %jit3A_185 : f32 to vector<16xf32>
      %select_n3A_187 = arith.select %eq3A_184, %sub3A_164, %broadcast_in_dim3A_186 : vector<16xi1>, vector<16xf32>
      %eq3A_188 = arith.constant 1 : i32
      %eq3A_189 = vector.broadcast %eq3A_188 : i32 to vector<16xi32>
      %eq3A_190 = arith.cmpi eq, %select_n3A_158, %eq3A_189 : vector<16xi32>
      %jit3A_191 = arith.constant 0.000000e+00 : f32
      %broadcast_in_dim3A_192 = vector.broadcast %jit3A_191 : f32 to vector<16xf32>
      %select_n3A_193 = arith.select %eq3A_190, %div3A, %broadcast_in_dim3A_192 : vector<16xi1>, vector<16xf32>
      %add3A_194 = arith.addf %select_n3A_187, %select_n3A_193 : vector<16xf32>
      %swap3A_195 = arith.constant 1 : i32
      %swap3A_196 = arith.index_cast %swap3A_195 : i32 to index
      %swap3A_197 = arith.index_cast %mul3A_12 : i32 to index
      %swap3A_198 = tpu.vector_load %arg5[%swap3A_196, %swap3A_197] {strides = array<i32>} : memref<8x256xf32, #tpu.memory_space<vmem>>, vector<1x16xf32>,
      %swap3A_199 = vector.shape_cast %swap3A_198 : vector<1x16xf32> to vector<16xf32>
      %swap3A_200 = vector.shape_cast %add3A_194 : vector<16xf32> to vector<1x16xf32>
      tpu.vector_store %arg5[%swap3A_196, %swap3A_197], %swap3A_200 {strides = array<i32>} : memref<8x256xf32, #tpu.memory_space<vmem>>, vector<1x16xf32>,
      %eq3A_201 = arith.constant 2 : i32
      %eq3A_202 = vector.broadcast %eq3A_201 : i32 to vector<16xi32>
      %eq3A_203 = arith.cmpi eq, %select_n3A_84, %eq3A_202 : vector<16xi32>
      %jit3A_204 = arith.constant 0.000000e+00 : f32
      %broadcast_in_dim3A_205 = vector.broadcast %jit3A_204 : f32 to vector<16xf32>
      %select_n3A_206 = arith.select %eq3A_203, %sub3A_164, %broadcast_in_dim3A_205 : vector<16xi1>, vector<16xf32>
      %eq3A_207 = arith.constant 2 : i32
      %eq3A_208 = vector.broadcast %eq3A_207 : i32 to vector<16xi32>
      %eq3A_209 = arith.cmpi eq, %select_n3A_158, %eq3A_208 : vector<16xi32>
      %jit3A_210 = arith.constant 0.000000e+00 : f32
      %broadcast_in_dim3A_211 = vector.broadcast %jit3A_210 : f32 to vector<16xf32>
      %select_n3A_212 = arith.select %eq3A_209, %div3A, %broadcast_in_dim3A_211 : vector<16xi1>, vector<16xf32>
      %add3A_213 = arith.addf %select_n3A_206, %select_n3A_212 : vector<16xf32>
      %swap3A_214 = arith.constant 2 : i32
      %swap3A_215 = arith.index_cast %swap3A_214 : i32 to index
      %swap3A_216 = arith.index_cast %mul3A_12 : i32 to index
      %swap3A_217 = tpu.vector_load %arg5[%swap3A_215, %swap3A_216] {strides = array<i32>} : memref<8x256xf32, #tpu.memory_space<vmem>>, vector<1x16xf32>,
      %swap3A_218 = vector.shape_cast %swap3A_217 : vector<1x16xf32> to vector<16xf32>
      %swap3A_219 = vector.shape_cast %add3A_213 : vector<16xf32> to vector<1x16xf32>
      tpu.vector_store %arg5[%swap3A_215, %swap3A_216], %swap3A_219 {strides = array<i32>} : memref<8x256xf32, #tpu.memory_space<vmem>>, vector<1x16xf32>,
      %eq3A_220 = arith.constant 3 : i32
      %eq3A_221 = vector.broadcast %eq3A_220 : i32 to vector<16xi32>
      %eq3A_222 = arith.cmpi eq, %select_n3A_84, %eq3A_221 : vector<16xi32>
      %jit3A_223 = arith.constant 0.000000e+00 : f32
      %broadcast_in_dim3A_224 = vector.broadcast %jit3A_223 : f32 to vector<16xf32>
      %select_n3A_225 = arith.select %eq3A_222, %sub3A_164, %broadcast_in_dim3A_224 : vector<16xi1>, vector<16xf32>
      %eq3A_226 = arith.constant 3 : i32
      %eq3A_227 = vector.broadcast %eq3A_226 : i32 to vector<16xi32>
      %eq3A_228 = arith.cmpi eq, %select_n3A_158, %eq3A_227 : vector<16xi32>
      %jit3A_229 = arith.constant 0.000000e+00 : f32
      %broadcast_in_dim3A_230 = vector.broadcast %jit3A_229 : f32 to vector<16xf32>
      %select_n3A_231 = arith.select %eq3A_228, %div3A, %broadcast_in_dim3A_230 : vector<16xi1>, vector<16xf32>
      %add3A_232 = arith.addf %select_n3A_225, %select_n3A_231 : vector<16xf32>
      %swap3A_233 = arith.constant 3 : i32
      %swap3A_234 = arith.index_cast %swap3A_233 : i32 to index
      %swap3A_235 = arith.index_cast %mul3A_12 : i32 to index
      %swap3A_236 = tpu.vector_load %arg5[%swap3A_234, %swap3A_235] {strides = array<i32>} : memref<8x256xf32, #tpu.memory_space<vmem>>, vector<1x16xf32>,
      %swap3A_237 = vector.shape_cast %swap3A_236 : vector<1x16xf32> to vector<16xf32>
      %swap3A_238 = vector.shape_cast %add3A_232 : vector<16xf32> to vector<1x16xf32>
      tpu.vector_store %arg5[%swap3A_234, %swap3A_235], %swap3A_238 {strides = array<i32>} : memref<8x256xf32, #tpu.memory_space<vmem>>, vector<1x16xf32>,
      %eq3A_239 = arith.constant 4 : i32
      %eq3A_240 = vector.broadcast %eq3A_239 : i32 to vector<16xi32>
      %eq3A_241 = arith.cmpi eq, %select_n3A_84, %eq3A_240 : vector<16xi32>
      %jit3A_242 = arith.constant 0.000000e+00 : f32
      %broadcast_in_dim3A_243 = vector.broadcast %jit3A_242 : f32 to vector<16xf32>
      %select_n3A_244 = arith.select %eq3A_241, %sub3A_164, %broadcast_in_dim3A_243 : vector<16xi1>, vector<16xf32>
      %eq3A_245 = arith.constant 4 : i32
      %eq3A_246 = vector.broadcast %eq3A_245 : i32 to vector<16xi32>
      %eq3A_247 = arith.cmpi eq, %select_n3A_158, %eq3A_246 : vector<16xi32>
      %jit3A_248 = arith.constant 0.000000e+00 : f32
      %broadcast_in_dim3A_249 = vector.broadcast %jit3A_248 : f32 to vector<16xf32>
      %select_n3A_250 = arith.select %eq3A_247, %div3A, %broadcast_in_dim3A_249 : vector<16xi1>, vector<16xf32>
      %add3A_251 = arith.addf %select_n3A_244, %select_n3A_250 : vector<16xf32>
      %swap3A_252 = arith.constant 4 : i32
      %swap3A_253 = arith.index_cast %swap3A_252 : i32 to index
      %swap3A_254 = arith.index_cast %mul3A_12 : i32 to index
      %swap3A_255 = tpu.vector_load %arg5[%swap3A_253, %swap3A_254] {strides = array<i32>} : memref<8x256xf32, #tpu.memory_space<vmem>>, vector<1x16xf32>,
      %swap3A_256 = vector.shape_cast %swap3A_255 : vector<1x16xf32> to vector<16xf32>
      %swap3A_257 = vector.shape_cast %add3A_251 : vector<16xf32> to vector<1x16xf32>
      tpu.vector_store %arg5[%swap3A_253, %swap3A_254], %swap3A_257 {strides = array<i32>} : memref<8x256xf32, #tpu.memory_space<vmem>>, vector<1x16xf32>,
      %eq3A_258 = arith.constant 5 : i32
      %eq3A_259 = vector.broadcast %eq3A_258 : i32 to vector<16xi32>
      %eq3A_260 = arith.cmpi eq, %select_n3A_84, %eq3A_259 : vector<16xi32>
      %jit3A_261 = arith.constant 0.000000e+00 : f32
      %broadcast_in_dim3A_262 = vector.broadcast %jit3A_261 : f32 to vector<16xf32>
      %select_n3A_263 = arith.select %eq3A_260, %sub3A_164, %broadcast_in_dim3A_262 : vector<16xi1>, vector<16xf32>
      %eq3A_264 = arith.constant 5 : i32
      %eq3A_265 = vector.broadcast %eq3A_264 : i32 to vector<16xi32>
      %eq3A_266 = arith.cmpi eq, %select_n3A_158, %eq3A_265 : vector<16xi32>
      %jit3A_267 = arith.constant 0.000000e+00 : f32
      %broadcast_in_dim3A_268 = vector.broadcast %jit3A_267 : f32 to vector<16xf32>
      %select_n3A_269 = arith.select %eq3A_266, %div3A, %broadcast_in_dim3A_268 : vector<16xi1>, vector<16xf32>
      %add3A_270 = arith.addf %select_n3A_263, %select_n3A_269 : vector<16xf32>
      %swap3A_271 = arith.constant 5 : i32
      %swap3A_272 = arith.index_cast %swap3A_271 : i32 to index
      %swap3A_273 = arith.index_cast %mul3A_12 : i32 to index
      %swap3A_274 = tpu.vector_load %arg5[%swap3A_272, %swap3A_273] {strides = array<i32>} : memref<8x256xf32, #tpu.memory_space<vmem>>, vector<1x16xf32>,
      %swap3A_275 = vector.shape_cast %swap3A_274 : vector<1x16xf32> to vector<16xf32>
      %swap3A_276 = vector.shape_cast %add3A_270 : vector<16xf32> to vector<1x16xf32>
      tpu.vector_store %arg5[%swap3A_272, %swap3A_273], %swap3A_276 {strides = array<i32>} : memref<8x256xf32, #tpu.memory_space<vmem>>, vector<1x16xf32>,
      %eq3A_277 = arith.constant 6 : i32
      %eq3A_278 = vector.broadcast %eq3A_277 : i32 to vector<16xi32>
      %eq3A_279 = arith.cmpi eq, %select_n3A_84, %eq3A_278 : vector<16xi32>
      %jit3A_280 = arith.constant 0.000000e+00 : f32
      %broadcast_in_dim3A_281 = vector.broadcast %jit3A_280 : f32 to vector<16xf32>
      %select_n3A_282 = arith.select %eq3A_279, %sub3A_164, %broadcast_in_dim3A_281 : vector<16xi1>, vector<16xf32>
      %eq3A_283 = arith.constant 6 : i32
      %eq3A_284 = vector.broadcast %eq3A_283 : i32 to vector<16xi32>
      %eq3A_285 = arith.cmpi eq, %select_n3A_158, %eq3A_284 : vector<16xi32>
      %jit3A_286 = arith.constant 0.000000e+00 : f32
      %broadcast_in_dim3A_287 = vector.broadcast %jit3A_286 : f32 to vector<16xf32>
      %select_n3A_288 = arith.select %eq3A_285, %div3A, %broadcast_in_dim3A_287 : vector<16xi1>, vector<16xf32>
      %add3A_289 = arith.addf %select_n3A_282, %select_n3A_288 : vector<16xf32>
      %swap3A_290 = arith.constant 6 : i32
      %swap3A_291 = arith.index_cast %swap3A_290 : i32 to index
      %swap3A_292 = arith.index_cast %mul3A_12 : i32 to index
      %swap3A_293 = tpu.vector_load %arg5[%swap3A_291, %swap3A_292] {strides = array<i32>} : memref<8x256xf32, #tpu.memory_space<vmem>>, vector<1x16xf32>,
      %swap3A_294 = vector.shape_cast %swap3A_293 : vector<1x16xf32> to vector<16xf32>
      %swap3A_295 = vector.shape_cast %add3A_289 : vector<16xf32> to vector<1x16xf32>
      tpu.vector_store %arg5[%swap3A_291, %swap3A_292], %swap3A_295 {strides = array<i32>} : memref<8x256xf32, #tpu.memory_space<vmem>>, vector<1x16xf32>,
      %eq3A_296 = arith.constant 7 : i32
      %eq3A_297 = vector.broadcast %eq3A_296 : i32 to vector<16xi32>
      %eq3A_298 = arith.cmpi eq, %select_n3A_84, %eq3A_297 : vector<16xi32>
      %jit3A_299 = arith.constant 0.000000e+00 : f32
      %broadcast_in_dim3A_300 = vector.broadcast %jit3A_299 : f32 to vector<16xf32>
      %select_n3A_301 = arith.select %eq3A_298, %sub3A_164, %broadcast_in_dim3A_300 : vector<16xi1>, vector<16xf32>
      %eq3A_302 = arith.constant 7 : i32
      %eq3A_303 = vector.broadcast %eq3A_302 : i32 to vector<16xi32>
      %eq3A_304 = arith.cmpi eq, %select_n3A_158, %eq3A_303 : vector<16xi32>
      %jit3A_305 = arith.constant 0.000000e+00 : f32
      %broadcast_in_dim3A_306 = vector.broadcast %jit3A_305 : f32 to vector<16xf32>
      %select_n3A_307 = arith.select %eq3A_304, %div3A, %broadcast_in_dim3A_306 : vector<16xi1>, vector<16xf32>
      %add3A_308 = arith.addf %select_n3A_301, %select_n3A_307 : vector<16xf32>
      %swap3A_309 = arith.constant 7 : i32
      %swap3A_310 = arith.index_cast %swap3A_309 : i32 to index
      %swap3A_311 = arith.index_cast %mul3A_12 : i32 to index
      %swap3A_312 = tpu.vector_load %arg5[%swap3A_310, %swap3A_311] {strides = array<i32>} : memref<8x256xf32, #tpu.memory_space<vmem>>, vector<1x16xf32>,
      %swap3A_313 = vector.shape_cast %swap3A_312 : vector<1x16xf32> to vector<16xf32>
      %swap3A_314 = vector.shape_cast %add3A_308 : vector<16xf32> to vector<1x16xf32>
      tpu.vector_store %arg5[%swap3A_310, %swap3A_311], %swap3A_314 {strides = array<i32>} : memref<8x256xf32, #tpu.memory_space<vmem>>, vector<1x16xf32>,
      %scan3A_315 = arith.constant 0 : i32
      scf.yield %scan3A_315 : i32
    }
    %scan3A_8 = arith.constant 16 : i32
    "tpu.region"() ({
      %run_scoped3A = tpu.sem_alloc : memref<!tpu.dma_semaphore, #tpu.memory_space<semaphore_mem>>
      %dma_start3A = arith.constant 0 : i32
      %dma_start3A_9 = tpu.memref_slice %arg3[%dma_start3A, %mul3A_2] : memref<8x8192xf32, #tpu.memory_space<hbm>> -> memref<8x256xf32, #tpu.memory_space<hbm>>
      %dma_start3A_10 = arith.constant 0 : i32
      %dma_start3A_11 = tpu.memref_slice %arg3[%dma_start3A_10, %mul3A_2] : memref<8x8192xf32, #tpu.memory_space<hbm>> -> memref<8x256xf32, #tpu.memory_space<hbm>>
      tpu.enqueue_dma source(%arg5 : memref<8x256xf32, #tpu.memory_space<vmem>>) target(%dma_start3A_11 : memref<8x256xf32, #tpu.memory_space<hbm>>) target_semaphore(%run_scoped3A : memref<!tpu.dma_semaphore, #tpu.memory_space<semaphore_mem>>)
      %dma_wait3A = arith.constant 0 : i32
      %dma_wait3A_12 = tpu.memref_slice %arg3[%dma_wait3A, %mul3A_2] : memref<8x8192xf32, #tpu.memory_space<hbm>> -> memref<8x256xf32, #tpu.memory_space<hbm>>
      %dma_wait3A_13 = arith.constant 0 : i32
      %dma_wait3A_14 = tpu.memref_slice %arg3[%dma_wait3A_13, %mul3A_2] : memref<8x8192xf32, #tpu.memory_space<hbm>> -> memref<8x256xf32, #tpu.memory_space<hbm>>
      tpu.wait_dma2 semaphore(%run_scoped3A : memref<!tpu.dma_semaphore, #tpu.memory_space<semaphore_mem>>) src(%arg5 : memref<8x256xf32, #tpu.memory_space<vmem>>) dst(%dma_wait3A_14 : memref<8x256xf32, #tpu.memory_space<hbm>>)
      tpu.yield
    }) : () -> ()
    return
  }
}

module attributes {stable_mosaic.version = 14 : i64} {
  func.func @_logits_kernel(%arg0: i32, %arg1: memref<1024x768xf32, #tpu.memory_space<vmem>>, %arg2: memref<8x768xf32, #tpu.memory_space<vmem>>, %arg3: memref<8x1024xf32, #tpu.memory_space<vmem>>) attributes {dimension_semantics = [#tpu.dimension_semantics<arbitrary>], iteration_bounds = array<i64: 8>, scalar_prefetch = 0 : i64, scratch_operands = 0 : i64, tpu.core_type = #tpu.core_type<tc>, window_params = [{transform_indices = @transform_0, window_bounds = array<i64: 1024, 768>}, {pipeline_mode = #tpu.pipeline_mode<synchronous>, transform_indices = @transform_1, window_bounds = array<i64: 8, 768>}, {transform_indices = @transform_2, window_bounds = array<i64: 8, 1024>}]} {
    %get3A = arith.constant 0 : index
    %get3A_0 = arith.constant 0 : index
    %get3A_1 = vector.load %arg2[%get3A, %get3A_0] : memref<8x768xf32, #tpu.memory_space<vmem>>, vector<8x768xf32>
    %get3A_2 = arith.constant 0 : index
    %get3A_3 = arith.constant 0 : index
    %get3A_4 = vector.load %arg1[%get3A_2, %get3A_3] : memref<1024x768xf32, #tpu.memory_space<vmem>>, vector<1024x768xf32>
    %dot_general3A = arith.constant dense<0.000000e+00> : vector<8x1024xf32>
    %dot_general3A_5 = tpu.matmul %get3A_1, %get3A_4, %dot_general3A {dimension_numbers = #tpu.dot_dimension_numbers<[1], [1], [0], [0], [0, 0, 1, 0], [], []>, transpose_lhs_hint = false} : vector<8x768xf32>, vector<1024x768xf32>, vector<8x1024xf32> -> vector<8x1024xf32>
    %swap3A = arith.constant 0 : index
    %swap3A_6 = arith.constant 0 : index
    %swap3A_7 = vector.load %arg3[%swap3A, %swap3A_6] : memref<8x1024xf32, #tpu.memory_space<vmem>>, vector<8x1024xf32>
    tpu.vector_store %arg3[%swap3A, %swap3A_6], %dot_general3A_5 {strides = array<i32>} : memref<8x1024xf32, #tpu.memory_space<vmem>>, vector<8x1024xf32>,
    return
  }
  func.func @transform_0(%arg0: i32) -> (i32, i32) {
    %c0_i32 = arith.constant 0 : i32
    %c0_i32_0 = arith.constant 0 : i32
    return %arg0, %c0_i32 : i32, i32
  }
  func.func @transform_1(%arg0: i32) -> (i32, i32) {
    %c0_i32 = arith.constant 0 : i32
    %c0_i32_0 = arith.constant 0 : i32
    %c0_i32_1 = arith.constant 0 : i32
    return %c0_i32, %c0_i32_0 : i32, i32
  }
  func.func @transform_2(%arg0: i32) -> (i32, i32) {
    %c0_i32 = arith.constant 0 : i32
    %c0_i32_0 = arith.constant 0 : i32
    return %c0_i32, %arg0 : i32, i32
  }
}

module attributes {stable_mosaic.version = 14 : i64} {
  func.func @_moe_tile_kernel(%arg0: i32, %arg1: memref<1024x768xf32, #tpu.memory_space<vmem>>, %arg2: memref<8x1024xf32, #tpu.memory_space<vmem>>, %arg3: memref<8x768x768xf32, #tpu.memory_space<vmem>>, %arg4: memref<8x768xf32, #tpu.memory_space<vmem>>, %arg5: memref<1024x768xf32, #tpu.memory_space<vmem>>, %arg6: memref<8x768x768xbf16, #tpu.memory_space<vmem>>) attributes {dimension_semantics = [#tpu.dimension_semantics<arbitrary>], iteration_bounds = array<i64: 8>, scalar_prefetch = 0 : i64, scratch_operands = 1 : i64, tpu.core_type = #tpu.core_type<tc>, window_params = [{transform_indices = @transform_0, window_bounds = array<i64: 1024, 768>}, {transform_indices = @transform_1, window_bounds = array<i64: 8, 1024>}, {pipeline_mode = #tpu.pipeline_mode<synchronous>, transform_indices = @transform_2, window_bounds = array<i64: 8, 768, 768>}, {pipeline_mode = #tpu.pipeline_mode<synchronous>, transform_indices = @transform_3, window_bounds = array<i64: 8, 768>}, {transform_indices = @transform_4, window_bounds = array<i64: 1024, 768>}]} {
    %eq3A = arith.constant 0 : i32
    %eq3A_0 = arith.cmpi eq, %arg0, %eq3A : i32
    %convert_element_type3A = arith.extui %eq3A_0 : i1 to i32
    %cond3A = arith.constant 0 : i32
    %cond3A_1 = arith.cmpi ne, %convert_element_type3A, %cond3A : i32
    scf.if %cond3A_1 {
      %get3A_112 = arith.constant 0 : index
      %get3A_113 = arith.constant 0 : index
      %get3A_114 = arith.constant 0 : index
      %get3A_115 = vector.load %arg3[%get3A_112, %get3A_113, %get3A_114] : memref<8x768x768xf32, #tpu.memory_space<vmem>>, vector<8x768x768xf32>
      %convert_element_type3A_116 = arith.truncf %get3A_115 : vector<8x768x768xf32> to vector<8x768x768xbf16>
      %swap3A_117 = arith.constant 0 : index
      %swap3A_118 = arith.constant 0 : index
      %swap3A_119 = arith.constant 0 : index
      %swap3A_120 = vector.load %arg6[%swap3A_117, %swap3A_118, %swap3A_119] : memref<8x768x768xbf16, #tpu.memory_space<vmem>>, vector<8x768x768xbf16>
      tpu.vector_store %arg6[%swap3A_117, %swap3A_118, %swap3A_119], %convert_element_type3A_116 {strides = array<i32>} : memref<8x768x768xbf16, #tpu.memory_space<vmem>>, vector<8x768x768xbf16>,
    } else {
    }
    %get3A = arith.constant 0 : index
    %get3A_2 = arith.constant 0 : index
    %get3A_3 = vector.load %arg1[%get3A, %get3A_2] : memref<1024x768xf32, #tpu.memory_space<vmem>>, vector<1024x768xf32>
    %get3A_4 = arith.constant 0 : index
    %get3A_5 = arith.constant 0 : index
    %get3A_6 = vector.load %arg2[%get3A_4, %get3A_5] : memref<8x1024xf32, #tpu.memory_space<vmem>>, vector<8x1024xf32>
    %get3A_7 = arith.constant 0 : index
    %get3A_8 = arith.constant 0 : index
    %get3A_9 = vector.load %arg4[%get3A_7, %get3A_8] : memref<8x768xf32, #tpu.memory_space<vmem>>, vector<8x768xf32>
    %dot_general3A = arith.constant dense<0.000000e+00> : vector<1024x768xf32>
    %dot_general3A_10 = tpu.matmul %get3A_6, %get3A_9, %dot_general3A {dimension_numbers = #tpu.dot_dimension_numbers<[0], [0], [1], [1], [0, 1, 1, 1], [], []>, transpose_lhs_hint = false} : vector<8x1024xf32>, vector<8x768xf32>, vector<1024x768xf32> -> vector<1024x768xf32>
    %get3A_11 = arith.constant 0 : index
    %get3A_12 = arith.constant 0 : index
    %get3A_13 = arith.constant 0 : index
    %get3A_14 = vector.load %arg6[%get3A_11, %get3A_12, %get3A_13] : memref<8x768x768xbf16, #tpu.memory_space<vmem>>, vector<1x768x768xbf16>
    %get3A_15 = vector.shape_cast %get3A_14 : vector<1x768x768xbf16> to vector<768x768xbf16>
    %dot_general3A_16 = arith.constant dense<0.000000e+00> : vector<1024x768xf32>
    %dot_general3A_17 = tpu.matmul %get3A_3, %get3A_15, %dot_general3A_16 {dimension_numbers = #tpu.dot_dimension_numbers<[1], [1], [0], [0], [0, 0, 1, 0], [], []>, transpose_lhs_hint = false} : vector<1024x768xf32>, vector<768x768xbf16>, vector<1024x768xf32> -> vector<1024x768xf32>
    %slice3A = vector.extract_strided_slice %get3A_6 {offsets = [0, 0], sizes = [1, 1024], strides = [1, 1]} : vector<8x1024xf32> to vector<1x1024xf32>
    %squeeze3A = vector.shape_cast %slice3A : vector<1x1024xf32> to vector<1024xf32>
    %broadcast_in_dim3A = vector.shape_cast %squeeze3A : vector<1024xf32> to vector<1024x1xf32>
    %mul3A = vector.broadcast %broadcast_in_dim3A : vector<1024x1xf32> to vector<1024x768xf32>
    %mul3A_18 = arith.mulf %mul3A, %dot_general3A_17 : vector<1024x768xf32>
    %add3A = arith.addf %dot_general3A_10, %mul3A_18 : vector<1024x768xf32>
    %get3A_19 = arith.constant 1 : index
    %get3A_20 = arith.constant 0 : index
    %get3A_21 = arith.constant 0 : index
    %get3A_22 = vector.load %arg6[%get3A_19, %get3A_20, %get3A_21] : memref<8x768x768xbf16, #tpu.memory_space<vmem>>, vector<1x768x768xbf16>
    %get3A_23 = vector.shape_cast %get3A_22 : vector<1x768x768xbf16> to vector<768x768xbf16>
    %dot_general3A_24 = arith.constant dense<0.000000e+00> : vector<1024x768xf32>
    %dot_general3A_25 = tpu.matmul %get3A_3, %get3A_23, %dot_general3A_24 {dimension_numbers = #tpu.dot_dimension_numbers<[1], [1], [0], [0], [0, 0, 1, 0], [], []>, transpose_lhs_hint = false} : vector<1024x768xf32>, vector<768x768xbf16>, vector<1024x768xf32> -> vector<1024x768xf32>
    %slice3A_26 = vector.extract_strided_slice %get3A_6 {offsets = [1, 0], sizes = [1, 1024], strides = [1, 1]} : vector<8x1024xf32> to vector<1x1024xf32>
    %squeeze3A_27 = vector.shape_cast %slice3A_26 : vector<1x1024xf32> to vector<1024xf32>
    %broadcast_in_dim3A_28 = vector.shape_cast %squeeze3A_27 : vector<1024xf32> to vector<1024x1xf32>
    %mul3A_29 = vector.broadcast %broadcast_in_dim3A_28 : vector<1024x1xf32> to vector<1024x768xf32>
    %mul3A_30 = arith.mulf %mul3A_29, %dot_general3A_25 : vector<1024x768xf32>
    %add3A_31 = arith.addf %add3A, %mul3A_30 : vector<1024x768xf32>
    %get3A_32 = arith.constant 2 : index
    %get3A_33 = arith.constant 0 : index
    %get3A_34 = arith.constant 0 : index
    %get3A_35 = vector.load %arg6[%get3A_32, %get3A_33, %get3A_34] : memref<8x768x768xbf16, #tpu.memory_space<vmem>>, vector<1x768x768xbf16>
    %get3A_36 = vector.shape_cast %get3A_35 : vector<1x768x768xbf16> to vector<768x768xbf16>
    %dot_general3A_37 = arith.constant dense<0.000000e+00> : vector<1024x768xf32>
    %dot_general3A_38 = tpu.matmul %get3A_3, %get3A_36, %dot_general3A_37 {dimension_numbers = #tpu.dot_dimension_numbers<[1], [1], [0], [0], [0, 0, 1, 0], [], []>, transpose_lhs_hint = false} : vector<1024x768xf32>, vector<768x768xbf16>, vector<1024x768xf32> -> vector<1024x768xf32>
    %slice3A_39 = vector.extract_strided_slice %get3A_6 {offsets = [2, 0], sizes = [1, 1024], strides = [1, 1]} : vector<8x1024xf32> to vector<1x1024xf32>
    %squeeze3A_40 = vector.shape_cast %slice3A_39 : vector<1x1024xf32> to vector<1024xf32>
    %broadcast_in_dim3A_41 = vector.shape_cast %squeeze3A_40 : vector<1024xf32> to vector<1024x1xf32>
    %mul3A_42 = vector.broadcast %broadcast_in_dim3A_41 : vector<1024x1xf32> to vector<1024x768xf32>
    %mul3A_43 = arith.mulf %mul3A_42, %dot_general3A_38 : vector<1024x768xf32>
    %add3A_44 = arith.addf %add3A_31, %mul3A_43 : vector<1024x768xf32>
    %get3A_45 = arith.constant 3 : index
    %get3A_46 = arith.constant 0 : index
    %get3A_47 = arith.constant 0 : index
    %get3A_48 = vector.load %arg6[%get3A_45, %get3A_46, %get3A_47] : memref<8x768x768xbf16, #tpu.memory_space<vmem>>, vector<1x768x768xbf16>
    %get3A_49 = vector.shape_cast %get3A_48 : vector<1x768x768xbf16> to vector<768x768xbf16>
    %dot_general3A_50 = arith.constant dense<0.000000e+00> : vector<1024x768xf32>
    %dot_general3A_51 = tpu.matmul %get3A_3, %get3A_49, %dot_general3A_50 {dimension_numbers = #tpu.dot_dimension_numbers<[1], [1], [0], [0], [0, 0, 1, 0], [], []>, transpose_lhs_hint = false} : vector<1024x768xf32>, vector<768x768xbf16>, vector<1024x768xf32> -> vector<1024x768xf32>
    %slice3A_52 = vector.extract_strided_slice %get3A_6 {offsets = [3, 0], sizes = [1, 1024], strides = [1, 1]} : vector<8x1024xf32> to vector<1x1024xf32>
    %squeeze3A_53 = vector.shape_cast %slice3A_52 : vector<1x1024xf32> to vector<1024xf32>
    %broadcast_in_dim3A_54 = vector.shape_cast %squeeze3A_53 : vector<1024xf32> to vector<1024x1xf32>
    %mul3A_55 = vector.broadcast %broadcast_in_dim3A_54 : vector<1024x1xf32> to vector<1024x768xf32>
    %mul3A_56 = arith.mulf %mul3A_55, %dot_general3A_51 : vector<1024x768xf32>
    %add3A_57 = arith.addf %add3A_44, %mul3A_56 : vector<1024x768xf32>
    %get3A_58 = arith.constant 4 : index
    %get3A_59 = arith.constant 0 : index
    %get3A_60 = arith.constant 0 : index
    %get3A_61 = vector.load %arg6[%get3A_58, %get3A_59, %get3A_60] : memref<8x768x768xbf16, #tpu.memory_space<vmem>>, vector<1x768x768xbf16>
    %get3A_62 = vector.shape_cast %get3A_61 : vector<1x768x768xbf16> to vector<768x768xbf16>
    %dot_general3A_63 = arith.constant dense<0.000000e+00> : vector<1024x768xf32>
    %dot_general3A_64 = tpu.matmul %get3A_3, %get3A_62, %dot_general3A_63 {dimension_numbers = #tpu.dot_dimension_numbers<[1], [1], [0], [0], [0, 0, 1, 0], [], []>, transpose_lhs_hint = false} : vector<1024x768xf32>, vector<768x768xbf16>, vector<1024x768xf32> -> vector<1024x768xf32>
    %slice3A_65 = vector.extract_strided_slice %get3A_6 {offsets = [4, 0], sizes = [1, 1024], strides = [1, 1]} : vector<8x1024xf32> to vector<1x1024xf32>
    %squeeze3A_66 = vector.shape_cast %slice3A_65 : vector<1x1024xf32> to vector<1024xf32>
    %broadcast_in_dim3A_67 = vector.shape_cast %squeeze3A_66 : vector<1024xf32> to vector<1024x1xf32>
    %mul3A_68 = vector.broadcast %broadcast_in_dim3A_67 : vector<1024x1xf32> to vector<1024x768xf32>
    %mul3A_69 = arith.mulf %mul3A_68, %dot_general3A_64 : vector<1024x768xf32>
    %add3A_70 = arith.addf %add3A_57, %mul3A_69 : vector<1024x768xf32>
    %get3A_71 = arith.constant 5 : index
    %get3A_72 = arith.constant 0 : index
    %get3A_73 = arith.constant 0 : index
    %get3A_74 = vector.load %arg6[%get3A_71, %get3A_72, %get3A_73] : memref<8x768x768xbf16, #tpu.memory_space<vmem>>, vector<1x768x768xbf16>
    %get3A_75 = vector.shape_cast %get3A_74 : vector<1x768x768xbf16> to vector<768x768xbf16>
    %dot_general3A_76 = arith.constant dense<0.000000e+00> : vector<1024x768xf32>
    %dot_general3A_77 = tpu.matmul %get3A_3, %get3A_75, %dot_general3A_76 {dimension_numbers = #tpu.dot_dimension_numbers<[1], [1], [0], [0], [0, 0, 1, 0], [], []>, transpose_lhs_hint = false} : vector<1024x768xf32>, vector<768x768xbf16>, vector<1024x768xf32> -> vector<1024x768xf32>
    %slice3A_78 = vector.extract_strided_slice %get3A_6 {offsets = [5, 0], sizes = [1, 1024], strides = [1, 1]} : vector<8x1024xf32> to vector<1x1024xf32>
    %squeeze3A_79 = vector.shape_cast %slice3A_78 : vector<1x1024xf32> to vector<1024xf32>
    %broadcast_in_dim3A_80 = vector.shape_cast %squeeze3A_79 : vector<1024xf32> to vector<1024x1xf32>
    %mul3A_81 = vector.broadcast %broadcast_in_dim3A_80 : vector<1024x1xf32> to vector<1024x768xf32>
    %mul3A_82 = arith.mulf %mul3A_81, %dot_general3A_77 : vector<1024x768xf32>
    %add3A_83 = arith.addf %add3A_70, %mul3A_82 : vector<1024x768xf32>
    %get3A_84 = arith.constant 6 : index
    %get3A_85 = arith.constant 0 : index
    %get3A_86 = arith.constant 0 : index
    %get3A_87 = vector.load %arg6[%get3A_84, %get3A_85, %get3A_86] : memref<8x768x768xbf16, #tpu.memory_space<vmem>>, vector<1x768x768xbf16>
    %get3A_88 = vector.shape_cast %get3A_87 : vector<1x768x768xbf16> to vector<768x768xbf16>
    %dot_general3A_89 = arith.constant dense<0.000000e+00> : vector<1024x768xf32>
    %dot_general3A_90 = tpu.matmul %get3A_3, %get3A_88, %dot_general3A_89 {dimension_numbers = #tpu.dot_dimension_numbers<[1], [1], [0], [0], [0, 0, 1, 0], [], []>, transpose_lhs_hint = false} : vector<1024x768xf32>, vector<768x768xbf16>, vector<1024x768xf32> -> vector<1024x768xf32>
    %slice3A_91 = vector.extract_strided_slice %get3A_6 {offsets = [6, 0], sizes = [1, 1024], strides = [1, 1]} : vector<8x1024xf32> to vector<1x1024xf32>
    %squeeze3A_92 = vector.shape_cast %slice3A_91 : vector<1x1024xf32> to vector<1024xf32>
    %broadcast_in_dim3A_93 = vector.shape_cast %squeeze3A_92 : vector<1024xf32> to vector<1024x1xf32>
    %mul3A_94 = vector.broadcast %broadcast_in_dim3A_93 : vector<1024x1xf32> to vector<1024x768xf32>
    %mul3A_95 = arith.mulf %mul3A_94, %dot_general3A_90 : vector<1024x768xf32>
    %add3A_96 = arith.addf %add3A_83, %mul3A_95 : vector<1024x768xf32>
    %get3A_97 = arith.constant 7 : index
    %get3A_98 = arith.constant 0 : index
    %get3A_99 = arith.constant 0 : index
    %get3A_100 = vector.load %arg6[%get3A_97, %get3A_98, %get3A_99] : memref<8x768x768xbf16, #tpu.memory_space<vmem>>, vector<1x768x768xbf16>
    %get3A_101 = vector.shape_cast %get3A_100 : vector<1x768x768xbf16> to vector<768x768xbf16>
    %dot_general3A_102 = arith.constant dense<0.000000e+00> : vector<1024x768xf32>
    %dot_general3A_103 = tpu.matmul %get3A_3, %get3A_101, %dot_general3A_102 {dimension_numbers = #tpu.dot_dimension_numbers<[1], [1], [0], [0], [0, 0, 1, 0], [], []>, transpose_lhs_hint = false} : vector<1024x768xf32>, vector<768x768xbf16>, vector<1024x768xf32> -> vector<1024x768xf32>
    %slice3A_104 = vector.extract_strided_slice %get3A_6 {offsets = [7, 0], sizes = [1, 1024], strides = [1, 1]} : vector<8x1024xf32> to vector<1x1024xf32>
    %squeeze3A_105 = vector.shape_cast %slice3A_104 : vector<1x1024xf32> to vector<1024xf32>
    %broadcast_in_dim3A_106 = vector.shape_cast %squeeze3A_105 : vector<1024xf32> to vector<1024x1xf32>
    %mul3A_107 = vector.broadcast %broadcast_in_dim3A_106 : vector<1024x1xf32> to vector<1024x768xf32>
    %mul3A_108 = arith.mulf %mul3A_107, %dot_general3A_103 : vector<1024x768xf32>
    %add3A_109 = arith.addf %add3A_96, %mul3A_108 : vector<1024x768xf32>
    %swap3A = arith.constant 0 : index
    %swap3A_110 = arith.constant 0 : index
    %swap3A_111 = vector.load %arg5[%swap3A, %swap3A_110] : memref<1024x768xf32, #tpu.memory_space<vmem>>, vector<1024x768xf32>
    tpu.vector_store %arg5[%swap3A, %swap3A_110], %add3A_109 {strides = array<i32>} : memref<1024x768xf32, #tpu.memory_space<vmem>>, vector<1024x768xf32>,
    return
  }
  func.func @transform_0(%arg0: i32) -> (i32, i32) {
    %c0_i32 = arith.constant 0 : i32
    %c0_i32_0 = arith.constant 0 : i32
    return %arg0, %c0_i32 : i32, i32
  }
  func.func @transform_1(%arg0: i32) -> (i32, i32) {
    %c0_i32 = arith.constant 0 : i32
    %c0_i32_0 = arith.constant 0 : i32
    return %c0_i32, %arg0 : i32, i32
  }
  func.func @transform_2(%arg0: i32) -> (i32, i32, i32) {
    %c0_i32 = arith.constant 0 : i32
    %c0_i32_0 = arith.constant 0 : i32
    %c0_i32_1 = arith.constant 0 : i32
    %c0_i32_2 = arith.constant 0 : i32
    return %c0_i32, %c0_i32_0, %c0_i32_1 : i32, i32, i32
  }
  func.func @transform_3(%arg0: i32) -> (i32, i32) {
    %c0_i32 = arith.constant 0 : i32
    %c0_i32_0 = arith.constant 0 : i32
    %c0_i32_1 = arith.constant 0 : i32
    return %c0_i32, %c0_i32_0 : i32, i32
  }
  func.func @transform_4(%arg0: i32) -> (i32, i32) {
    %c0_i32 = arith.constant 0 : i32
    %c0_i32_0 = arith.constant 0 : i32
    return %arg0, %c0_i32 : i32, i32
  }
}

</mosaic_0001>

<sc_bundles>
// kernel: kernel.5.cloned.1.call-start
scs
__scs_entry_jumppad:
0x0: {  	(pc) =	sbr.rel $0x88, $3  }
0x1: {  	(tag) =	ssettag $0x0;
	lr =	simm.s32 $0x1  }
0x2: {  	[smem:$0x3F9D] =	sst lr;
	_ =	strace $0xD0000000  }
0x3: {  	_ = 	snop  }
0x4: {  	_ = 	snop  }
0x5: {  	_ = 	snop  }
0x6: {  	_ = 	snop  }
0x7: {  	_ = 	snop  }
__scs_overlays_trampoline_lowered:
0x8: {  	[smem:$0x3FAC] =	sst s0  }
0x9: {  	[smem:$0x3FAD] =	sst s1  }
0xa: {  	[smem:$0x3FAE] =	sst s2  }
0xb: {  	[smem:$0x3FAF] =	sst s3  }
0xc: {  	[smem:$0x3FB0] =	sst s4  }
0xd: {  	[smem:$0x3FB1] =	sst s5  }
0xe: {  	[smem:$0x3FB2] =	sst s6  }
0xf: {  	[smem:$0x3FB3] =	sst s7  }
0x10: {  	[smem:$0x3FB4] =	sst s8  }
0x11: {  	[smem:$0x3FB5] =	sst s9;
	s0 =	simm.s32 @!p0 $0x0  }
0x12: {  	s1 =	sld [smem:$0x3F9B];
	s0 =	simm.s32 @p0 $0x1  }
0x13: {  	[smem:$0x3FB6] =	sst s0;
	s0 =	simm.s32 @!p1 $0x0  }
0x14: {  	s2 =	sld [smem:$0x3F9A];
	s0 =	simm.s32 @p1 $0x1  }
0x15: {  	[smem:$0x3FB7] =	sst s0;
	s0 =	simm.s32 @!p2 $0x0  }
0x16: {  	s3 =	sld [smem:$0x3FDB];
	s0 =	simm.s32 @p2 $0x1  }
0x17: {  	s4 =	simm.s32 $0x1BF5;
	[smem:$0x3FB9] =	sst s0  }
0x18: {  	s0 =	sld [smem:$0x3F9C];
	_ =	swait.ge [sflag:s4], $0x0  }
0x19: {  	s7 =	sld [smem:$0x3F9D]  }
0x1a: {  	s8 =	sadd.s32 $0xFFFFE003, lr  }
0x1b: {  	s9 =	sadd.s32 $0xFFFFFEF7, lr;
	s5 =	simm.s32 $0xFFFFFFFF;
	p2 =	slt.u32 s8, $0xFFFFF086  }
0x1c: {  	p1 =	slt.u32 s9, $0xF7A;
	s5 =	simm.s32 @!p2 $0x0  }
0x1d: {  	s5 =	simm.s32 @p1 $0x1;
	p0 =	seq.s32 s7, s2  }
0x1e: {  	s7 =	smul.u32 @!p0 $0xF7A, s2;
	p2 =	seq.s32 @!p0 s5, $0x0  }
0x1f: {  	s9 =	smul.u32 $0xF7A, s1;
	s8 =	simm.s32 @!p0 $0x1BF5;
	p2 =	por !p2, p0  }
0x20: {  	[sflag:s8] =	ssyncset.s32 @!p0 $0xFFFFF086;
	s6 =	sadd.s32 @!p0 s3, s7;
	s7 =	simm.s32 @!p0 $0x108  }
0x21: {  	s3 =	sadd.s32 s3, s9;
	s6 =	sadd.s32 @!p0 $0x88, s6;
	s7 =	simm.s32 @p2 $0x1082  }
0x22: {  	[simem:s7], [sflag:s8] =	dma.local @!p0 [hbm:s6], $0xF7A  }
0x23: {  	s9 =	sor.u32 $0xD0000000, s2;
	s6 =	simm.s32 $0x108;
	_ =	swait.ge @!p0 [sflag:s8], $0x0  }
0x24: {  	s3 =	sadd.s32 $0x88, s3;
	s6 =	simm.s32 @!p1 $0x1082;
	[sflag:s4] =	ssyncset.s32 $0xFFFFF086  }
0x25: {  	[simem:s6], [sflag:s4] =	dma.local [hbm:s3], $0xF7A  }
0x26: {  	[smem:$0x3F9D] =	sst s1;
	(tag) =	ssettag s2;
	_ =	strace s9  }
0x27: {  	s1 =	sld [smem:$0x3FAD]  }
0x28: {  	s2 =	sld [smem:$0x3FAE]  }
0x29: {  	s4 =	sld [smem:$0x3FB0]  }
0x2a: {  	p0 =	seq.s32 s5, $0x0;
	s5 =	sld [smem:$0x3FB1]  }
0x2b: {  	s6 =	sld [smem:$0x3FB2]  }
0x2c: {  	s7 =	sld [smem:$0x3FB3]  }
0x2d: {  	s3 =	simm.s32 $0x108;
	s8 =	sld [smem:$0x3FB4]  }
0x2e: {  	s3 =	simm.s32 @!p0 $0x1082;
	s9 =	sld [smem:$0x3FB5]  }
0x2f: {  	lr =	sadd.s32 s0, s3;
	s0 =	sld [smem:$0x3FAC]  }
0x30: {  	s3 =	sld [smem:$0x3FAF]  }
0x31: {  	[smem:$0x3FB8] =	sst s10  }
0x32: {  	s10 =	sld [smem:$0x3FB6];
	_ =	sdelay $0x3  }
0x33: {  	p0 =	seq.s32 s10, $0x1;
	s10 =	sld [smem:$0x3FB8];
	_ =	sdelay $0x3  }
0x34: {  	[smem:$0x3FB8] =	sst s10  }
0x35: {  	s10 =	sld [smem:$0x3FB7];
	_ =	sdelay $0x3  }
0x36: {  	p1 =	seq.s32 s10, $0x1;
	s10 =	sld [smem:$0x3FB8];
	_ =	sdelay $0x3  }
0x37: {  	[smem:$0x3FB8] =	sst s10  }
0x38: {  	s10 =	sld [smem:$0x3FB9]  }
0x39: {  	_ = 	snop;
	(pc) =	sbr.ind lr, $3  }
0x3a: {  	_ = 	snop  }
0x3b: {  	_ = 	snop  }
0x3c: {  	p2 =	seq.s32 s10, $0x1;
	s10 =	sld [smem:$0x3FB8]  }
0x3d: {  	_ =	shalt  }
0x3e: {  	_ =	shalt  }
0x3f: {  	_ =	shalt  }
0x40: {  	_ =	shalt  }
0x41: {  	_ =	shalt  }
0x42: {  	_ =	shalt  }
0x43: {  	_ =	shalt  }
0x44: {  	_ =	shalt  }
0x45: {  	_ =	shalt  }
0x46: {  	_ =	shalt  }
0x47: {  	_ =	shalt  }
0x48: {  	_ =	shalt  }
0x49: {  	_ =	shalt  }
0x4a: {  	_ =	shalt  }
0x4b: {  	_ =	shalt  }
0x4c: {  	_ =	shalt  }
0x4d: {  	_ =	shalt  }
0x4e: {  	_ =	shalt  }
0x4f: {  	_ =	shalt  }
0x50: {  	_ =	shalt  }
0x51: {  	_ =	shalt  }
0x52: {  	_ =	shalt  }
0x53: {  	_ =	shalt  }
0x54: {  	_ =	shalt  }
0x55: {  	_ =	shalt  }
0x56: {  	_ =	shalt  }
0x57: {  	_ =	shalt  }
0x58: {  	_ =	shalt  }
0x59: {  	_ =	shalt  }
0x5a: {  	_ =	shalt  }
0x5b: {  	_ =	shalt  }
0x5c: {  	_ =	shalt  }
0x5d: {  	_ =	shalt  }
0x5e: {  	_ =	shalt  }
0x5f: {  	_ =	shalt  }
0x60: {  	_ =	shalt  }
0x61: {  	_ =	shalt  }
0x62: {  	_ =	shalt  }
0x63: {  	_ =	shalt  }
0x64: {  	_ =	shalt  }
0x65: {  	_ =	shalt  }
0x66: {  	_ =	shalt  }
0x67: {  	_ =	shalt  }
0x68: {  	_ =	shalt  }
0x69: {  	_ =	shalt  }
0x6a: {  	_ =	shalt  }
0x6b: {  	_ =	shalt  }
0x6c: {  	_ =	shalt  }
0x6d: {  	_ =	shalt  }
0x6e: {  	_ =	shalt  }
0x6f: {  	_ =	shalt  }
0x70: {  	_ =	shalt  }
0x71: {  	_ =	shalt  }
0x72: {  	_ =	shalt  }
0x73: {  	_ =	shalt  }
0x74: {  	_ =	shalt  }
0x75: {  	_ =	shalt  }
0x76: {  	_ =	shalt  }
0x77: {  	_ =	shalt  }
0x78: {  	_ =	shalt  }
0x79: {  	_ =	shalt  }
0x7a: {  	_ =	shalt  }
0x7b: {  	_ =	shalt  }
0x7c: {  	_ =	shalt  }
0x7d: {  	_ =	shalt  }
0x7e: {  	_ =	shalt  }
0x7f: {  	_ =	shalt  }
0x80: {  	_ =	shalt  }
0x81: {  	_ =	shalt  }
0x82: {  	_ =	shalt  }
0x83: {  	_ =	shalt  }
0x84: {  	_ =	shalt  }
0x85: {  	_ =	shalt  }
0x86: {  	_ =	shalt  }
0x87: {  	_ =	shalt  }
.Lfunc_end0:
.L_simem_size_0:
called_computation_lowered:
.L_overlay_start_0:
0x88: {  	s2 =	sld [smem:$0x3FD9]  }
0x89: {  	s3 =	sld [smem:$0x3FFE];
	_ =	sdelay $0x1  }
0x8a: {  	s1 =	srdreg.scid  }
0x8b: {  	s0 =	sand.u32 $0x1, s1  }
0x8c: {  	s17 =	sshll.u32 s0, $0xA;
	s2 =	sadd.s32 s3, s2  }
0x8d: {  	s2 =	sadd.s32 s2, s17  }
0x8e: {  	[smem:$0x3FC4] =	sst s2  }
0x8f: {  	_ = 	snop  }
0x90: {  	s2 =	sld [smem:$0x3FD0];
	(tm) =	ssettm $0x1  }
0x91: {  	s18 =	sld [smem:$0x3FFB];
	_ =	sdelay $0x3  }
0x92: {  	_ =	strace s18  }
0x93: {  	s3 =	sld [smem:$0x3FFC];
	_ =	sdelay $0x3  }
0x94: {  	_ =	strace s3  }
0x95: {  	s3 =	sld [smem:$0x3FFD];
	_ =	sdelay $0x3  }
0x96: {  	_ =	strace s3  }
0x97: {  	_ =	strace $0x8FFFFFFF  }
0x98: {  	s19 =	sld [smem:$0x3FDB];
	_ =	sdelay $0x1  }
0x99: {  	s4 =	simm.s32 $_scs_section_size  }
0x9a: {  	s5 =	simm.s32 $_size__tile_overlayer_lowered;
	s6 =	simm.s32 $_tile_overlayer_lowered  }
0x9b: {  	s22 =	simm.s32 $0x1BFF;
	s21 =	sshll.u32 s6, $0x1;
	s3 =	sadd.s32 s4, s19  }
0x9c: {  	s7 =	simm.s32 $0x0;
	s20 =	sshll.u32 s5, $0x1;
	s5 =	sadd.s32 s21, s3  }
0x9d: {  	[timem:s7], [sflag:s22] =	dma.local [hbm:s5], s20  }
0x9e: {  	_ =	swait.ge [sflag:s22], s20  }
0x9f: {  	s4 =	ssub.s32 $0x0, s20;
	[sflag:s22] =	ssyncset.done $0x0  }
0xa0: {  	[sflag:s22] =	ssyncadd.s32 s4;
	_ =	sdelay $0x1  }
0xa1: {  	s23 =	simm.s32 $0x1B8B  }
0xa2: {  	_ =	swait.ge [sflag:s23], $0x1  }
0xa3: {  	[sflag:s23] =	ssyncset.done $0x0  }
0xa4: {  	s25 =	simm.s32 $0x1B8E;
	s24 =	sld [smem:$0x3FFE];
	[sflag:s23] =	ssyncadd.s32 $0xFFFFFFFF  }
0xa5: {  	s26 =	simm.s32 $execute0_lowered;
	[smem:$0x3FD2] =	sst s25  }
0xa6: {  	s5 =	sshll.u32 s26, $0x1;
	_ =	strace $0x80000046;
	[dreg:$0x1] =	wrdreg $0xFFFFFFFF  }
0xa7: {  	s28 =	simm.s32 $_size_execute0_lowered;
	s3 =	sadd.s32 s3, s5;
	[dreg:$0x0] =	wrdreg $0x0  }
0xa8: {  	s5 =	sshll.u32 s28, $0x1;
	[dreg:$0x2] =	wrdreg s3  }
0xa9: {  	[dreg:$0x3] =	wrdreg s5  }
0xaa: {  	[dreg:$0x4] =	wrdreg $0xC0  }
0xab: {  	_ =	task [dreg:s7], $0x5FFFF  }
0xac: {  	[dreg:$0x1] =	wrdreg $0xFFFFFFFF  }
0xad: {  	[dreg:$0x0] =	wrdreg $0x60  }
0xae: {  	[dreg:$0x2] =	wrdreg s2  }
0xaf: {  	[dreg:$0x3] =	wrdreg s24  }
0xb0: {  	[dreg:$0x4] =	wrdreg $0x9  }
0xb1: {  	_ =	task.clear_ibuf [dreg:s7], $0x5FFFF;
	_ =	strace $0x90000046  }
0xb2: {  	s29 =	simm.s32 $0x9;
	_ =	strace $0x80000048  }
0xb3: {  	_ =	swait.ge [sflag:s29], $0x1  }
0xb4: {  	[sflag:s29] =	ssyncadd.s32 $0xFFFFFFFF  }
0xb5: {  	_ =	strace $0x90000048  }
0xb6: {  	_ =	sfence  }
0xb7: {  	s30 =	sld [smem:$0x0];
	_ =	sdelay $0x2  }
0xb8: {  	s31 =	sshll.u32 s1, $0xD;
	s1 =	sshrl.u32 s1, $0x2  }
0xb9: {  	s3 =	sand.u32 $0x4000, s31;
	s1 =	sadd.s32 s1, s30  }
0xba: {  	s0 =	sor.u32 s3, s0;
	s1 =	sshll.u32 s1, $0x11  }
0xbb: {  	s0 =	sor.u32 s1, s0  }
0xbc: {  	s0 =	sadd.s32 $0x8F2B, s0  }
0xbd: {  	[sflag:s0] =	ssyncadd.remote.s32 $0x1  }
0xbe: {  	_ =	sfence.sel $0xFFFF  }
0xbf: {  	[dreg:$0x0] =	wrdreg $0xFFFFFFFF;
	(pc) =	sbr.abs _section_cstart, $3  }
0xc0: {  	[dreg:$0x1] =	wrdreg $0xFFFFFFFF  }
0xc1: {  	_ =	task.clear_ibuf [dreg:s7], $0x2FFFF;
	_ =	strace $0x9FFFFFFF  }
0xc2: {  	(tm) =	ssettm $0x7FFFFFFF  }
0xc3: {  	_ =	shalt  }
tec
execute0_lowered:
.L_overlay_start_1:
0x0: {  	(tag) =	ssettag $0x1  }
0x1: {  	s3 =	rddreg [dreg:$0x0]  }
0x2: {  	s4 =	rddreg [dreg:$0x1]  }
0x3: {  	s0 =	rddreg [dreg:$0x2];
	s5 =	srdreg.scid  }
0x4: {  	s2 =	simm.s32 $0x0;
	s1 =	stileid.u32;
	s8 =	simm.s32 $0x0  }
0x5: {  	s5 =	sand.u32 $0x1, s5;
	s6 =	sshll.u32 s1, $0x9;
	[smem:$0x7FF] =	sst s2  }
0x6: {  	s7 =	sshll.u32 s5, $0x8;
	s5 =	ssub.s32 $0x2, s5;
	_ =	strace $0x80000047  }
0x7: {  	s6 =	sor.u32 s7, s6;
	s31 =	sshrl.u32 s5, $0x1;
	s7 =	simm.s32 $0x800  }
0x8: {  	s4 =	sadd.s32 s6, s4;
	s5 =	ssub.s32 s5, s31;
	s3 =	sadd.s32 s3, s6  }
0x9: {  	v0 =	vimm.s32 $0x0;
	s6 =	simm.s32 $0x1;
	s4 =	sadd.s32 $0xE00, s4;
	s5 =	smax.u32 s5, $0x1  }
.LBB2_1:
0xa: {  	[tilespmem:s2], [sflag:$0x1] =	stream.linear.gather [hbm4b:s3+s2], $0x800, $0x38;
	[tilespmem:$0x1000] =	vst v63  }
0xb: {  	s9 =	sand.u32 $0xFFFFFC00, s2;
	_ =	swait.ge [sflag:s6], $0x800  }
0xc: {  	s10 =	sand.u32 $0x70, s2;
	s11 =	sand.u32 $0x400, s2;
	[sflag:s6] =	ssyncset.done $0x0  }
0xd: {  	s12 =	sor.u32 s10, s11;
	s9 =	sadd.s32 $0x0, s9;
	[sflag:s6] =	ssyncadd.s32 $0xFFFFF800  }
0xe: {  	s13 =	sor.u32 $0x80, s9;
	v1 =	vld [tilespmem:s12+$0x0]  }
0xf: {  	v2 =	vld [tilespmem:s13+$0x0];
	_ =	sdelay $0x1  }
0x10: {  	v3 =	vld [tilespmem:s12+$0x100]  }
0x11: {  	s29 =	sor.u32 $0x180, s9  }
0x12: {  	v4 =	vld [tilespmem:s29+$0x0]  }
0x13: {  	vm0 =	vgt.f32 v2, v1  }
0x14: {  	v5 =	vld [tilespmem:s12+$0x200];
	v6 =	vsel vm0, v2, v1  }
0x15: {  	s30 =	sor.u32 $0x280, s9;
	vm1 =	vgt.f32 v3, v6  }
0x16: {  	v7 =	vld [tilespmem:s30+$0x0];
	v6 =	vsel vm1, v3, v6  }
0x17: {  	vm2 =	vgt.f32 v4, v6  }
0x18: {  	s31 =	sor.u32 s2, s2;
	v8 =	vld [tilespmem:s12+$0x300];
	v6 =	vsel vm2, v4, v6  }
0x19: {  	s9 =	sor.u32 $0x380, s31;
	vm3 =	vgt.f32 v5, v6  }
0x1a: {  	v9 =	vld [tilespmem:s9+$0x0];
	v6 =	vsel vm3, v5, v6  }
0x1b: {  	v10 =	vsel vm0, $0x1, v0;
	vm12 =	vgt.f32 v7, v6  }
0x1c: {  	v10 =	vsel vm1, $0x2, v10;
	v6 =	vsel vm12, v7, v6  }
0x1d: {  	v10 =	vsel vm2, $0x3, v10;
	vm1 =	vgt.f32 v8, v6  }
0x1e: {  	v10 =	vsel vm3, $0x4, v10;
	v6 =	vsel vm1, v8, v6  }
0x1f: {  	v10 =	vsel vm12, $0x5, v10;
	vm13 =	vgt.f32 v9, v6  }
0x20: {  	v10 =	vsel vm1, $0x6, v10;
	vm0 =	vmneg vm13  }
0x21: {  	vm14 =	vlt.f32 v1, $-Inf;
	vm15 =	vgt.f32 v1, $-Inf;
	v10 =	vnsel vm0, $0x7, v10  }
0x22: {  	vm2 =	vmor vm15, vm14;
	vm6 =	vne.s32 v10, $0x0  }
0x23: {  	vm2 =	vmand vm2, vm6  }
0x24: {  	v1 =	vnsel vm2, $0xFF800000, v1  }
0x25: {  	vm7 =	vne.s32 v10, $0x1;
	vm8 =	vgt.f32 v2, v1  }
0x26: {  	vm3 =	vmand vm7, vm8  }
0x27: {  	v1 =	vsel vm3, v2, v1  }
0x28: {  	vm9 =	vne.s32 v10, $0x2;
	vm4 =	vgt.f32 v3, v1  }
0x29: {  	vm4 =	vmand vm9, vm4  }
0x2a: {  	v1 =	vsel vm4, v3, v1  }
0x2b: {  	vm10 =	vne.s32 v10, $0x3;
	vm5 =	vgt.f32 v4, v1  }
0x2c: {  	vm5 =	vmand vm10, vm5  }
0x2d: {  	v1 =	vsel vm5, v4, v1  }
0x2e: {  	vm11 =	vne.s32 v10, $0x4;
	vm6 =	vgt.f32 v5, v1  }
0x2f: {  	vm6 =	vmand vm11, vm6  }
0x30: {  	v1 =	vsel vm6, v5, v1  }
0x31: {  	vm12 =	vne.s32 v10, $0x5;
	vm7 =	vgt.f32 v7, v1  }
0x32: {  	vm7 =	vmand vm12, vm7  }
0x33: {  	v1 =	vsel vm7, v7, v1  }
0x34: {  	vm8 =	vgt.f32 v8, v1  }
0x35: {  	vm2 =	vmand vm1, vm0;
	vm13 =	vmneg vm8  }
0x36: {  	vm8 =	vmor vm2, vm13  }
0x37: {  	v1 =	vsel vm8, v1, v8  }
0x38: {  	vm14 =	vgt.f32 v9, v1  }
0x39: {  	vm1 =	vmand vm0, vm14  }
0x3a: {  	v2 =	vsel vm0, v6, v9;
	v1 =	vsel vm1, v9, v1  }
0x3b: {  	v1 =	vsub.f32 v1, v2;
	_ =	sdelay $0x1  }
0x3c: {  	v1 =	vmul.f32 $1.442695020e+00, v1;
	_ =	sdelay $0x1  }
0x3d: {  	(erf) = vpow2.f32 v1;
	_ =	sdelay $0x8  }
0x3e: {  	v1 =	vpop (erf)  }
0x3f: {  	v2 =	vadd.f32 $1.000000000e+00, v1;
	_ =	sdelay $0x1  }
0x40: {  	(erf) = vrcp.f32 v2;
	_ =	sdelay $0x4  }
0x41: {  	v2 =	vsel vm3, $0x1, v0  }
0x42: {  	v2 =	vsel vm4, $0x2, v2  }
0x43: {  	v2 =	vsel vm5, $0x3, v2  }
0x44: {  	vm9 =	veq.s32 v10, $0x0;
	vm3 =	vmor vm1, vm8;
	v2 =	vsel vm6, $0x4, v2  }
0x45: {  	vm4 =	veq.s32 v10, $0x3;
	vm5 =	veq.s32 v10, $0x4;
	v2 =	vsel vm7, $0x5, v2;
	v3 =	vpop (erf)  }
0x46: {  	vm6 =	veq.s32 v10, $0x5;
	v2 =	vnsel vm8, $0x6, v2;
	v1 =	vmul.f32 v3, v1  }
0x47: {  	vm7 =	veq.s32 v10, $0x1;
	vm8 =	veq.s32 v10, $0x2;
	v2 =	vsel vm1, $0x7, v2  }
0x48: {  	vm10 =	veq.s32 v2, $0x4;
	vm11 =	veq.s32 v2, $0x5;
	v3 =	vsub.f32 $1.000000000e+00, v1  }
0x49: {  	vm12 =	veq.s32 v2, $0x3;
	vm13 =	veq.s32 v2, $0x0;
	vm14 =	veq.s32 v2, $0x1  }
0x4a: {  	vm15 =	veq.s32 v2, $0x2;
	v2 =	vnsel vm13, $0x0, v1;
	v49 =	vnsel vm9, $0x0, v3  }
0x4b: {  	v51 =	vnsel vm14, $0x0, v1;
	v50 =	vnsel vm7, $0x0, v3;
	v2 =	vadd.f32 v49, v2  }
0x4c: {  	v53 =	vnsel vm15, $0x0, v1;
	v52 =	vnsel vm8, $0x0, v3;
	v4 =	vadd.f32 v50, v51  }
0x4d: {  	v55 =	vnsel vm12, $0x0, v1;
	v54 =	vnsel vm4, $0x0, v3;
	[tilespmem:s12+$0x800] =	vst v2;
	v2 =	vadd.f32 v52, v53  }
0x4e: {  	v58 =	vnsel vm10, $0x0, v1;
	v56 =	vnsel vm5, $0x0, v3;
	v57 =	vadd.f32 v54, v55;
	[tilespmem:s13+$0x800] =	vst v4  }
0x4f: {  	v60 =	vnsel vm11, $0x0, v1;
	v59 =	vnsel vm6, $0x0, v3;
	[tilespmem:s12+$0x900] =	vst v2;
	v2 =	vadd.f32 v56, v58  }
0x50: {  	v63 =	vsel vm3, $0x0, v1;
	v61 =	vnsel vm2, $0x0, v3;
	v62 =	vadd.f32 v59, v60;
	[tilespmem:s29+$0x800] =	vst v57  }
0x51: {  	[tilespmem:s12+$0xA00] =	vst v2;
	v2 =	vadd.f32 v61, v63  }
0x52: {  	s14 =	simm.s32 $0x20;
	s10 =	simm.s32 $0x10;
	s11 =	simm.s32 $0x80;
	v1 =	vnsel vm1, $0x0, v1;
	v3 =	vsel vm0, $0x0, v3;
	[tilespmem:s30+$0x800] =	vst v62  }
0x53: {  	s15 =	sand.u32 $0xFFFFFC00, s11;
	s16 =	sand.u32 $0x70, s10;
	s17 =	sand.u32 $0x400, s11;
	v1 =	vadd.f32 v3, v1;
	[tilespmem:s12+$0xB00] =	vst v2  }
.LBB2_2:
0x54: {  	s12 =	sor.u32 s16, s17  }
0x55: {  	s16 =	sadd.s32 s15, s10;
	[tilespmem:s9+$0x800] =	vst v1;
	s9 =	smov.u32 s14;
	s13 =	sadd.s32 $0x10, s14  }
0x56: {  	p0 =	sne.s32 s14, $0xF0;
	v1 =	vld [tilespmem:s12+$0x0];
	s15 =	sor.u32 $0x80, s16  }
0x57: {  	v2 =	vld [tilespmem:s15+$0x0];
	_ =	sdelay $0x1  }
0x58: {  	v3 =	vld [tilespmem:s12+$0x100]  }
0x59: {  	s14 =	sor.u32 $0x180, s16  }
0x5a: {  	v4 =	vld [tilespmem:s14+$0x0];
	vm0 =	vlt.f32 v1, $-Inf;
	vm1 =	vgt.f32 v1, $-Inf  }
0x5b: {  	vm3 =	vgt.f32 v2, v1;
	vm2 =	vmor vm1, vm0  }
0x5c: {  	v5 =	vld [tilespmem:s12+$0x200];
	v6 =	vsel vm3, v2, v1  }
0x5d: {  	s16 =	sor.u32 $0x280, s16;
	vm0 =	vgt.f32 v3, v6  }
0x5e: {  	v7 =	vld [tilespmem:s16+$0x0];
	v6 =	vsel vm0, v3, v6  }
0x5f: {  	vm1 =	vgt.f32 v4, v6  }
0x60: {  	s17 =	sor.u32 s11, s10;
	s10 =	smov.u32 s9;
	v8 =	vld [tilespmem:s12+$0x300];
	v6 =	vsel vm1, v4, v6  }
0x61: {  	s9 =	sor.u32 $0x380, s17;
	vm4 =	vgt.f32 v5, v6  }
0x62: {  	v9 =	vld [tilespmem:s9+$0x0];
	v6 =	vsel vm4, v5, v6  }
0x63: {  	v10 =	vsel vm3, $0x1, v0;
	vm3 =	vgt.f32 v7, v6  }
0x64: {  	v10 =	vsel vm0, $0x2, v10;
	v6 =	vsel vm3, v7, v6  }
0x65: {  	v10 =	vsel vm1, $0x3, v10;
	vm1 =	vgt.f32 v8, v6  }
0x66: {  	v10 =	vsel vm4, $0x4, v10;
	v6 =	vsel vm1, v8, v6  }
0x67: {  	v10 =	vsel vm3, $0x5, v10;
	vm0 =	vgt.f32 v9, v6  }
0x68: {  	v10 =	vsel vm1, $0x6, v10;
	vm0 =	vmneg vm0  }
0x69: {  	v6 =	vsel vm0, v6, v9;
	v10 =	vnsel vm0, $0x7, v10  }
0x6a: {  	vm3 =	vne.s32 v10, $0x0  }
0x6b: {  	vm2 =	vmand vm2, vm3  }
0x6c: {  	v1 =	vnsel vm2, $0xFF800000, v1  }
0x6d: {  	vm2 =	vne.s32 v10, $0x1;
	vm3 =	vgt.f32 v2, v1  }
0x6e: {  	vm2 =	vmand vm2, vm3  }
0x6f: {  	v1 =	vsel vm2, v2, v1  }
0x70: {  	vm3 =	vne.s32 v10, $0x2;
	vm4 =	vgt.f32 v3, v1  }
0x71: {  	v2 =	vsel vm2, $0x1, v0;
	vm2 =	vmand vm3, vm4  }
0x72: {  	v1 =	vsel vm2, v3, v1;
	v2 =	vsel vm2, $0x2, v2  }
0x73: {  	vm2 =	vne.s32 v10, $0x3;
	vm3 =	vgt.f32 v4, v1  }
0x74: {  	vm2 =	vmand vm2, vm3  }
0x75: {  	v1 =	vsel vm2, v4, v1;
	v2 =	vsel vm2, $0x3, v2  }
0x76: {  	vm2 =	vne.s32 v10, $0x4;
	vm3 =	vgt.f32 v5, v1  }
0x77: {  	vm2 =	vmand vm2, vm3  }
0x78: {  	v1 =	vsel vm2, v5, v1;
	v2 =	vsel vm2, $0x4, v2  }
0x79: {  	vm2 =	vne.s32 v10, $0x5;
	vm3 =	vgt.f32 v7, v1  }
0x7a: {  	vm2 =	vmand vm2, vm3  }
0x7b: {  	v1 =	vsel vm2, v7, v1;
	v2 =	vsel vm2, $0x5, v2  }
0x7c: {  	vm2 =	vgt.f32 v8, v1  }
0x7d: {  	vm1 =	vmand vm1, vm0;
	vm2 =	vmneg vm2  }
0x7e: {  	vm2 =	vmor vm1, vm2  }
0x7f: {  	v1 =	vsel vm2, v1, v8  }
0x80: {  	vm3 =	vgt.f32 v9, v1  }
0x81: {  	v2 =	vnsel vm2, $0x6, v2;
	vm3 =	vmand vm0, vm3  }
0x82: {  	v1 =	vsel vm3, v9, v1;
	v2 =	vsel vm3, $0x7, v2;
	vm2 =	vmor vm3, vm2  }
0x83: {  	v1 =	vsub.f32 v1, v6;
	_ =	sdelay $0x1  }
0x84: {  	v1 =	vmul.f32 $1.442695020e+00, v1;
	_ =	sdelay $0x1  }
0x85: {  	(erf) = vpow2.f32 v1;
	_ =	sdelay $0x8  }
0x86: {  	v1 =	vpop (erf)  }
0x87: {  	v3 =	vadd.f32 $1.000000000e+00, v1;
	_ =	sdelay $0x1  }
0x88: {  	(erf) = vrcp.f32 v3;
	_ =	sdelay $0x8  }
0x89: {  	vm7 =	veq.s32 v10, $0x3;
	vm5 =	veq.s32 v10, $0x4;
	vm4 =	veq.s32 v10, $0x5;
	v3 =	vpop (erf)  }
0x8a: {  	vm8 =	veq.s32 v10, $0x1;
	vm9 =	veq.s32 v10, $0x2;
	v1 =	vmul.f32 v3, v1  }
0x8b: {  	vm10 =	veq.s32 v10, $0x0;
	vm11 =	veq.s32 v2, $0x4;
	vm6 =	veq.s32 v2, $0x5  }
0x8c: {  	vm12 =	veq.s32 v2, $0x3;
	v3 =	vsub.f32 $1.000000000e+00, v1;
	v4 =	vnsel vm3, $0x0, v1  }
0x8d: {  	vm13 =	veq.s32 v2, $0x1;
	vm14 =	veq.s32 v2, $0x2;
	vm3 =	veq.s32 v2, $0x0  }
0x8e: {  	v5 =	vnsel vm3, $0x0, v1;
	v2 =	vnsel vm10, $0x0, v3;
	v6 =	vnsel vm8, $0x0, v3  }
0x8f: {  	v7 =	vnsel vm9, $0x0, v3;
	v2 =	vadd.f32 v2, v5;
	v5 =	vnsel vm13, $0x0, v1  }
0x90: {  	v8 =	vnsel vm7, $0x0, v3;
	v5 =	vadd.f32 v6, v5;
	v6 =	vnsel vm14, $0x0, v1  }
0x91: {  	[tilespmem:s12+$0x800] =	vst v2;
	v2 =	vadd.f32 v7, v6;
	v6 =	vnsel vm12, $0x0, v1;
	v7 =	vnsel vm5, $0x0, v3  }
0x92: {  	[tilespmem:s15+$0x800] =	vst v5;
	v5 =	vadd.f32 v8, v6;
	v6 =	vnsel vm11, $0x0, v1;
	v8 =	vnsel vm4, $0x0, v3  }
.Ltmp0:
0x93: {  	[tilespmem:s12+$0x900] =	vst v2;
	v2 =	vadd.f32 v7, v6;
	v6 =	vnsel vm6, $0x0, v1;
	v7 =	vnsel vm1, $0x0, v3;
	(pc) =	sbr.rel @p0 .LBB2_2-.Ltmp0, $4  }
0x94: {  	v1 =	vsel vm2, $0x0, v1;
	v3 =	vsel vm0, $0x0, v3;
	[tilespmem:s14+$0x800] =	vst v5;
	v5 =	vadd.f32 v8, v6  }
0x95: {  	s11 =	sadd.s32 $0x80, s11;
	[tilespmem:s12+$0xA00] =	vst v2;
	v2 =	vadd.f32 v7, v1  }
0x96: {  	s17 =	sand.u32 $0x400, s11;
	v1 =	vadd.f32 v3, v4;
	[tilespmem:s16+$0x800] =	vst v5  }
0x97: {  	s15 =	sand.u32 $0xFFFFFC00, s11;
	s14 =	smov.u32 s13;
	s16 =	sand.u32 $0x70, s10;
	[tilespmem:s12+$0xB00] =	vst v2  }
0x98: {  	s12 =	sor.u32 s16, s17;
	s15 =	sadd.s32 s15, s10;
	[tilespmem:s9+$0x800] =	vst v1  }
0x99: {  	v1 =	vld [tilespmem:s12+$0x0];
	s14 =	sor.u32 $0x80, s15  }
0x9a: {  	v2 =	vld [tilespmem:s14+$0x0];
	_ =	sdelay $0x1  }
0x9b: {  	v3 =	vld [tilespmem:s12+$0x100]  }
0x9c: {  	s13 =	sor.u32 $0x180, s15  }
0x9d: {  	v4 =	vld [tilespmem:s13+$0x0]  }
0x9e: {  	vm0 =	vgt.f32 v2, v1  }
0x9f: {  	v5 =	vld [tilespmem:s12+$0x200];
	v6 =	vsel vm0, v2, v1  }
0xa0: {  	s30 =	sor.u32 $0x280, s15;
	vm1 =	vgt.f32 v3, v6  }
0xa1: {  	v7 =	vld [tilespmem:s30+$0x0];
	v6 =	vsel vm1, v3, v6  }
0xa2: {  	vm2 =	vgt.f32 v4, v6  }
0xa3: {  	s31 =	sor.u32 s11, s10;
	v8 =	vld [tilespmem:s12+$0x300];
	v6 =	vsel vm2, v4, v6  }
0xa4: {  	s10 =	sor.u32 $0x380, s31;
	vm3 =	vgt.f32 v5, v6  }
0xa5: {  	v9 =	vld [tilespmem:s10+$0x0];
	v6 =	vsel vm3, v5, v6  }
0xa6: {  	v10 =	vsel vm0, $0x1, v0;
	vm12 =	vgt.f32 v7, v6  }
0xa7: {  	v10 =	vsel vm1, $0x2, v10;
	v6 =	vsel vm12, v7, v6  }
0xa8: {  	v10 =	vsel vm2, $0x3, v10;
	vm1 =	vgt.f32 v8, v6  }
0xa9: {  	v10 =	vsel vm3, $0x4, v10;
	v6 =	vsel vm1, v8, v6  }
0xaa: {  	v10 =	vsel vm12, $0x5, v10;
	vm13 =	vgt.f32 v9, v6  }
0xab: {  	v10 =	vsel vm1, $0x6, v10;
	vm0 =	vmneg vm13  }
0xac: {  	vm14 =	vlt.f32 v1, $-Inf;
	vm15 =	vgt.f32 v1, $-Inf;
	v10 =	vnsel vm0, $0x7, v10  }
0xad: {  	vm2 =	vmor vm15, vm14;
	vm6 =	vne.s32 v10, $0x0  }
0xae: {  	vm2 =	vmand vm2, vm6  }
0xaf: {  	v1 =	vnsel vm2, $0xFF800000, v1  }
0xb0: {  	vm7 =	vne.s32 v10, $0x1;
	vm8 =	vgt.f32 v2, v1  }
0xb1: {  	vm3 =	vmand vm7, vm8  }
0xb2: {  	v1 =	vsel vm3, v2, v1  }
0xb3: {  	vm9 =	vne.s32 v10, $0x2;
	vm4 =	vgt.f32 v3, v1  }
0xb4: {  	vm4 =	vmand vm9, vm4  }
0xb5: {  	v1 =	vsel vm4, v3, v1  }
0xb6: {  	vm10 =	vne.s32 v10, $0x3;
	vm5 =	vgt.f32 v4, v1  }
0xb7: {  	vm5 =	vmand vm10, vm5  }
0xb8: {  	v1 =	vsel vm5, v4, v1  }
0xb9: {  	vm11 =	vne.s32 v10, $0x4;
	vm6 =	vgt.f32 v5, v1  }
0xba: {  	vm6 =	vmand vm11, vm6  }
0xbb: {  	v1 =	vsel vm6, v5, v1  }
0xbc: {  	vm12 =	vne.s32 v10, $0x5;
	vm7 =	vgt.f32 v7, v1  }
0xbd: {  	vm7 =	vmand vm12, vm7  }
0xbe: {  	v1 =	vsel vm7, v7, v1  }
0xbf: {  	vm13 =	vgt.f32 v8, v1  }
0xc0: {  	vm1 =	vmand vm1, vm0;
	vm2 =	vmneg vm13  }
0xc1: {  	vm8 =	vmor vm1, vm2  }
0xc2: {  	v1 =	vsel vm8, v1, v8  }
0xc3: {  	vm14 =	vgt.f32 v9, v1  }
0xc4: {  	vm2 =	vmand vm0, vm14  }
0xc5: {  	v2 =	vsel vm0, v6, v9;
	v1 =	vsel vm2, v9, v1  }
0xc6: {  	v1 =	vsub.f32 v1, v2;
	_ =	sdelay $0x1  }
0xc7: {  	v1 =	vmul.f32 $1.442695020e+00, v1;
	_ =	sdelay $0x1  }
0xc8: {  	(erf) = vpow2.f32 v1;
	_ =	sdelay $0x8  }
0xc9: {  	v1 =	vpop (erf)  }
0xca: {  	v2 =	vadd.f32 $1.000000000e+00, v1;
	_ =	sdelay $0x1  }
0xcb: {  	(erf) = vrcp.f32 v2;
	_ =	sdelay $0x4  }
0xcc: {  	v2 =	vsel vm3, $0x1, v0  }
0xcd: {  	v2 =	vsel vm4, $0x2, v2  }
0xce: {  	v2 =	vsel vm5, $0x3, v2  }
0xcf: {  	vm9 =	veq.s32 v10, $0x0;
	vm3 =	vmor vm2, vm8;
	v2 =	vsel vm6, $0x4, v2  }
0xd0: {  	vm4 =	veq.s32 v10, $0x3;
	vm5 =	veq.s32 v10, $0x4;
	v2 =	vsel vm7, $0x5, v2;
	v3 =	vpop (erf)  }
0xd1: {  	vm6 =	veq.s32 v10, $0x5;
	v2 =	vnsel vm8, $0x6, v2;
	v1 =	vmul.f32 v3, v1  }
0xd2: {  	vm7 =	veq.s32 v10, $0x1;
	vm8 =	veq.s32 v10, $0x2;
	v2 =	vsel vm2, $0x7, v2  }
0xd3: {  	vm10 =	veq.s32 v2, $0x4;
	vm11 =	veq.s32 v2, $0x5;
	v3 =	vsub.f32 $1.000000000e+00, v1  }
0xd4: {  	vm12 =	veq.s32 v2, $0x3;
	vm13 =	veq.s32 v2, $0x0;
	vm14 =	veq.s32 v2, $0x1  }
0xd5: {  	vm15 =	veq.s32 v2, $0x2;
	v2 =	vnsel vm13, $0x0, v1;
	v49 =	vnsel vm9, $0x0, v3  }
0xd6: {  	v51 =	vnsel vm14, $0x0, v1;
	v50 =	vnsel vm7, $0x0, v3;
	v2 =	vadd.f32 v49, v2  }
0xd7: {  	v53 =	vnsel vm15, $0x0, v1;
	v52 =	vnsel vm8, $0x0, v3;
	v4 =	vadd.f32 v50, v51  }
0xd8: {  	v55 =	vnsel vm12, $0x0, v1;
	v54 =	vnsel vm4, $0x0, v3;
	[tilespmem:s12+$0x800] =	vst v2;
	v2 =	vadd.f32 v52, v53  }
0xd9: {  	v58 =	vnsel vm10, $0x0, v1;
	v56 =	vnsel vm5, $0x0, v3;
	v57 =	vadd.f32 v54, v55;
	[tilespmem:s14+$0x800] =	vst v4  }
0xda: {  	v60 =	vnsel vm11, $0x0, v1;
	v59 =	vnsel vm6, $0x0, v3;
	[tilespmem:s12+$0x900] =	vst v2;
	v2 =	vadd.f32 v56, v58  }
0xdb: {  	v63 =	vsel vm3, $0x0, v1;
	v61 =	vnsel vm1, $0x0, v3;
	v62 =	vadd.f32 v59, v60;
	[tilespmem:s13+$0x800] =	vst v57  }
0xdc: {  	v1 =	vnsel vm2, $0x0, v1;
	v3 =	vsel vm0, $0x0, v3;
	[tilespmem:s12+$0xA00] =	vst v2;
	v2 =	vadd.f32 v61, v63  }
0xdd: {  	s8 =	sadd.s32 $0x1, s8;
	v1 =	vadd.f32 v3, v1;
	[tilespmem:s30+$0x800] =	vst v62  }
0xde: {  	p0 =	sne.s32 s8, s5;
	[tilespmem:s12+$0xB00] =	vst v2  }
.Ltmp1:
0xdf: {  	[tilespmem:s10+$0x800] =	vst v1;
	(pc) =	sbr.rel @p0 .LBB2_1-.Ltmp1, $4  }
0xe0: {  	[hbm4b:s4+s2] =	stream.linear.scatter [tilespmem:s7], [sflag:$0x1], $0x800, $0x38;
	[tilespmem:$0x1000] =	vst v63  }
0xe1: {  	_ =	swait.ge [sflag:s6], $0x800  }
0xe2: {  	[sflag:s6] =	ssyncset.done $0x0  }
0xe3: {  	[sflag:s6] =	ssyncadd.s32 $0xFFFFF800  }
0xe4: {  	_ =	sfence.sel $0x180000  }
0xe5: {  	[bflag:$0x0] =	sbarrier.arrive $0xFFFF  }
0xe6: {  	p0 =	sne.s32 s1, $0x0;
	_ =	strace $0x90000047  }
0xe7: {  	s0 =	sadd.s32 @!p0 $0x100000, s0;
	[bflag:$0x2] =	sbarrier.arrive $0xFFFF  }
0xe8: {  	[sflag:s0] =	ssyncadd.tile.s32 @!p0 $0x1;
	_ =	shalt  }
.Lfunc_end2:
_tile_overlayer_lowered:
.L_overlay_start_2:
0xe9: {  	(tag) =	ssettag $0x2  }
0xea: {  	s0 =	rddreg [dreg:$0x0];
	s2 =	stileid.u32  }
0xeb: {  	s1 =	rddreg [dreg:$0x1];
	p0 =	sne.s32 s2, $0x0  }
0xec: {  	s3 =	rddreg [dreg:$0x2];
	[bflag:$0x3] =	sbarrier.arrive $0xFFFF;
	s2 =	simm.s32 @!p0 $0x1C01  }
0xed: {  	[timem:s3], [sflag:s2] =	dma.local @!p0 [hbm:s0], s1  }
0xee: {  	s0 =	simm.s32 @!p0 $0x1  }
0xef: {  	_ =	swait.ge @!p0 [sflag:s0], s1  }
0xf0: {  	s1 =	ssub.s32 @!p0 $0x0, s1;
	[sflag:s0] =	ssyncset.done @!p0 $0x0  }
0xf1: {  	[sflag:s0] =	ssyncadd.s32 @!p0 s1  }
0xf2: {  	[bflag:$0x3] =	sbarrier.arrive $0xFFFF  }
0xf3: {  	_ =	shalt  }

</sc_bundles>
